<compile_context>
chip_gen: v7x
topology: tpu7x:2x2x1
jax: 0.10.2.dev20260603
libtpu: 0.0.44.dev20260713+nightly
codegen_flags: <defaults>
</compile_context>

<pallas_src>
import functools

import jax
import jax.numpy as jnp
from jax import lax
from jax.experimental import pallas as pl
from jax.experimental.pallas import tpu as pltpu
from jax.experimental.pallas import tpu_sc as plsc

N = 10000
D = 128
E = 320000

NC = 2
NS = 16
NW = NC * NS

CH = 128

EC_PER_W = 79
E_PAD = NW * EC_PER_W * CH
N_ACC = 10112
ROWS_PER_TILE = N_ACC // NS

OFF = N_ACC
N2 = 20352
P2 = 2 * OFF
DC_PER_W = 157
D_PAD = NW * DC_PER_W * CH
DROWS_PER_TILE = N2 // NS

_SC_MESH = plsc.VectorSubcoreMesh(core_axis_name="c", subcore_axis_name="s")
_SC_PARAMS = pltpu.CompilerParams(use_tc_tiling_on_sc=False)


@functools.partial(
    pl.kernel,
    out_type=jax.ShapeDtypeStruct((NC * N2, 16), jnp.float32),
    mesh=_SC_MESH,
    scratch_types=[
        pltpu.VMEM_SHARED((N2, 16), jnp.float32),
        pltpu.VMEM((CH,), jnp.int32),
        pltpu.VMEM((CH, 16), jnp.float32),
    ],
    compiler_params=_SC_PARAMS,
)
def _deg_call(idx_hbm, ones_hbm, zeros_hbm, out_hbm, acc, idx_v, ones_v):
    cid = lax.axis_index("c")
    sid = lax.axis_index("s")
    wid = sid * NC + cid
    r0 = sid * DROWS_PER_TILE
    pltpu.sync_copy(ones_hbm, ones_v)
    pltpu.sync_copy(zeros_hbm, acc.at[pl.ds(r0, DROWS_PER_TILE)])
    plsc.subcore_barrier()

    @pl.loop(0, DC_PER_W)
    def _(g):
        c = wid * DC_PER_W + g
        pltpu.sync_copy(idx_hbm.at[c], idx_v)
        pltpu.sync_copy(ones_v, acc.at[idx_v], add=True)

    plsc.subcore_barrier()
    pltpu.sync_copy(acc.at[pl.ds(r0, DROWS_PER_TILE)],
                    out_hbm.at[pl.ds(cid * N2 + r0, DROWS_PER_TILE)])


@functools.partial(
    pl.kernel,
    out_type=jax.ShapeDtypeStruct((NC * N_ACC, D), jnp.float32),
    mesh=_SC_MESH,
    scratch_types=[
        pltpu.VMEM_SHARED((N_ACC, D), jnp.float32),
        pltpu.VMEM((CH,), jnp.int32),
        pltpu.VMEM((CH,), jnp.int32),
        pltpu.VMEM((CH, D), jnp.float32),
        pltpu.SemaphoreType.DMA,
    ],
    compiler_params=_SC_PARAMS,
)
def _agg_call(h_hbm, src_hbm, dst_hbm, zeros_hbm, out_hbm, acc, srcv, dstv,
              rows, sem):
    cid = lax.axis_index("c")
    sid = lax.axis_index("s")
    wid = sid * NC + cid
    r0 = sid * ROWS_PER_TILE
    pltpu.sync_copy(zeros_hbm, acc.at[pl.ds(r0, ROWS_PER_TILE)])
    plsc.subcore_barrier()

    @pl.loop(0, EC_PER_W)
    def _(g):
        c = wid * EC_PER_W + g
        pltpu.sync_copy(src_hbm.at[c], srcv)
        pltpu.sync_copy(dst_hbm.at[c], dstv)
        pltpu.async_copy(h_hbm.at[srcv], rows, sem).wait()
        pltpu.sync_copy(rows, acc.at[dstv], add=True)

    plsc.subcore_barrier()
    pltpu.sync_copy(acc.at[pl.ds(r0, ROWS_PER_TILE)],
                    out_hbm.at[pl.ds(cid * N_ACC + r0, ROWS_PER_TILE)])


BLN = 2544
BLC = 1264


def _norm_body(p0_ref, p1_ref, out_ref):
    deg = p0_ref[...] + p1_ref[...]
    col = jnp.maximum(deg[:, 0:1], 1.0)
    out_ref[...] = jnp.broadcast_to(lax.rsqrt(col), (BLN, D))


_norm_call = pl.pallas_call(
    _norm_body,
    grid=(N2 // BLN,),
    in_specs=[
        pl.BlockSpec((BLN, 16), lambda i: (i, 0)),
        pl.BlockSpec((BLN, 16), lambda i: (i, 0)),
    ],
    out_specs=pl.BlockSpec((BLN, D), lambda i: (i, 0)),
    out_shape=jax.ShapeDtypeStruct((N2, D), jnp.float32),
)


def _scale_body(x_ref, ns_ref, out_ref):
    out_ref[...] = x_ref[...] * ns_ref[...]


_scale_call = pl.pallas_call(
    _scale_body,
    grid=(N_ACC // BLC,),
    in_specs=[
        pl.BlockSpec((BLC, D), lambda i: (i, 0)),
        pl.BlockSpec((BLC, D), lambda i: (i, 0)),
    ],
    out_specs=pl.BlockSpec((BLC, D), lambda i: (i, 0)),
    out_shape=jax.ShapeDtypeStruct((N_ACC, D), jnp.float32),
)


def _layer_body(relu, p0_ref, p1_ref, nd_ref, ns_ref, w_ref, b_ref, h_ref,
                hs_ref):
    agg = (p0_ref[...] + p1_ref[...]) * nd_ref[...]
    y = jnp.dot(agg, w_ref[...], preferred_element_type=jnp.float32)
    y = y + b_ref[0:1, :]
    if relu:
        y = jnp.maximum(y, 0.0)
    h_ref[...] = y
    hs_ref[...] = y * ns_ref[...]


def _make_layer_call(relu):
    return pl.pallas_call(
        functools.partial(_layer_body, relu),
        grid=(N_ACC // BLC,),
        in_specs=[
            pl.BlockSpec((BLC, D), lambda i: (i, 0)),
            pl.BlockSpec((BLC, D), lambda i: (i, 0)),
            pl.BlockSpec((BLC, D), lambda i: (i, 0)),
            pl.BlockSpec((BLC, D), lambda i: (i, 0)),
            pl.BlockSpec((D, D), lambda i: (0, 0)),
            pl.BlockSpec((8, D), lambda i: (0, 0)),
        ],
        out_specs=[
            pl.BlockSpec((BLC, D), lambda i: (i, 0)),
            pl.BlockSpec((BLC, D), lambda i: (i, 0)),
        ],
        out_shape=[
            jax.ShapeDtypeStruct((N_ACC, D), jnp.float32),
            jax.ShapeDtypeStruct((N_ACC, D), jnp.float32),
        ],
    )


_layer_relu = _make_layer_call(True)
_layer_last = _make_layer_call(False)


def kernel(inputs, edge_index, embedding_layer, W1, b1, W2, b2, W3, b3, W4,
           b4, W5, b5):
    src = edge_index[0].astype(jnp.int32)
    dst = edge_index[1].astype(jnp.int32)

    pad_e = jnp.full((E_PAD - E,), N, jnp.int32)
    src_p = jnp.concatenate([src, pad_e]).reshape(E_PAD // CH, CH)
    dst_p = jnp.concatenate([dst, pad_e]).reshape(E_PAD // CH, CH)
    didx = jnp.concatenate(
        [src, dst + OFF, jnp.full((D_PAD - 2 * E,), P2, jnp.int32)]
    ).reshape(D_PAD // CH, CH)
    ones16 = jnp.ones((CH, 16), jnp.float32)
    zeros16 = jnp.zeros((DROWS_PER_TILE, 16), jnp.float32)
    zerosd = jnp.zeros((ROWS_PER_TILE, D), jnp.float32)
    x_pad = jnp.concatenate(
        [inputs, jnp.zeros((N_ACC - N, D), jnp.float32)])

    degp = _deg_call(didx, ones16, zeros16)
    norm_b = _norm_call(degp[:N2], degp[N2:])
    ns_b = norm_b[:N_ACC]
    nd_b = norm_b[OFF:OFF + N_ACC]

    h_cur = _scale_call(x_pad, ns_b)
    hs = []
    weights = [(W1, b1), (W2, b2), (W3, b3), (W4, b4), (W5, b5)]
    for i, (w, b) in enumerate(weights):
        parts = _agg_call(h_cur, src_p, dst_p, zerosd)
        b8 = jnp.broadcast_to(b[None, :], (8, D))
        call = _layer_relu if i < 4 else _layer_last
        h_out, h_next = call(parts[:N_ACC], parts[N_ACC:], nd_b, ns_b, w, b8)
        hs.append(h_out[:N])
        h_cur = h_next

    h5 = hs[4]
    emb_idx = jnp.clip(jnp.asarray(embedding_layer, jnp.int32) - 1, 0, 4)
    emb = lax.switch(emb_idx, [lambda h=h: h for h in hs])
    return (h5, emb, inputs)

# --- scband reference (transcript-rebuilt; emitter-appended) ---
"""Pipeline reference for scband-gcn-5-layers-21388937134412 (READ-ONLY COPY).

The authoritative reference and input builder live on the scoring server;
editing this copy changes nothing except your own understanding.
"""

import jax, jax.numpy as jnp
import numpy as np

N = 10000
E = 320000
D = 128

def setup_inputs(seed: int = 0) -> dict:
    key = jax.random.key(seed)
    ks = jax.random.split(key, 13)
    inp = {}
    inp['inputs'] = jax.random.normal(ks[0], (N, D), dtype=jnp.float32)
    inp['edge_index'] = jax.random.randint(ks[1], (2, E), 0, N, dtype=jnp.int32)
    inp['embedding_layer'] = 3
    scale = 1.0 / np.sqrt(D)
    for i in range(5):
        inp['W%d' % (i + 1)] = jax.random.normal(ks[2 + 2 * i], (D, D), dtype=jnp.float32) * scale
        inp['b%d' % (i + 1)] = jnp.zeros((D,), dtype=jnp.float32)
    return inp

def reference(inputs, edge_index, embedding_layer, W1, b1, W2, b2, W3, b3, W4, b4, W5, b5):
    src = edge_index[0]
    dst = edge_index[1]
    ones = jnp.ones((E,), dtype=jnp.float32)
    deg_out = jax.ops.segment_sum(ones, src, num_segments=N)
    deg_in = jax.ops.segment_sum(ones, dst, num_segments=N)
    # DGL GraphConv norm='both': D_dst^{-1/2} A D_src^{-1/2} X W + b, degrees clamped to min 1
    norm_src = jnp.power(jnp.maximum(deg_out, 1.0), -0.5)
    norm_dst = jnp.power(jnp.maximum(deg_in, 1.0), -0.5)

    def gcn_layer(h, W, b):
        h = h * norm_src[:, None]
        msgs = jnp.take(h, src, axis=0)
        agg = jax.ops.segment_sum(msgs, dst, num_segments=N)
        agg = agg * norm_dst[:, None]
        return agg @ W + b

    h1 = jax.nn.relu(gcn_layer(inputs, W1, b1))
    h2 = jax.nn.relu(gcn_layer(h1, W2, b2))
    h3 = jax.nn.relu(gcn_layer(h2, W3, b3))
    h4 = jax.nn.relu(gcn_layer(h3, W4, b4))
    h5 = gcn_layer(h4, W5, b5)
    hs = jnp.stack([h1, h2, h3, h4, h5], axis=0)
    emb = jnp.take(hs, jnp.asarray(embedding_layer) - 1, axis=0)
    return (h5, emb, inputs)

if __name__ == "__main__":
    import jax
    _d = setup_inputs()
    print(jax.jit(kernel)(*tuple(_d.values())))

</pallas_src>

<mosaic_0001>
#map = affine_map<(d0, d1) -> (0, 0)>
module attributes {stable_mosaic.version = 14 : i64} {
  func.func @_agg_call(%arg0: i32, %arg1: i32, %arg2: memref<10112x128xf32, #tpu.memory_space<hbm>>, %arg3: memref<2528x128xi32, #tpu.memory_space<hbm>>, %arg4: memref<2528x128xi32, #tpu.memory_space<hbm>>, %arg5: memref<632x128xf32, #tpu.memory_space<hbm>>, %arg6: memref<20224x128xf32, #tpu.memory_space<hbm>>, %arg7: memref<10112x128xf32, #tpu.memory_space<vmem_shared>>, %arg8: memref<128xi32, #tpu.memory_space<vmem>>, %arg9: memref<128xi32, #tpu.memory_space<vmem>>, %arg10: memref<128x128xf32, #tpu.memory_space<vmem>>, %arg11: memref<!tpu.dma_semaphore, #tpu.memory_space<semaphore_mem>>) attributes {dimension_semantics = [#tpu.dimension_semantics<core_parallel>, #tpu.dimension_semantics<subcore_parallel>], iteration_bounds = array<i64: 2, 16>, scalar_prefetch = 0 : i64, scratch_operands = 5 : i64, tpu.core_type = #tpu.core_type<sc_vector_subcore>, window_params = [{transform_indices = #map}, {transform_indices = #map}, {transform_indices = #map}, {transform_indices = #map}, {transform_indices = #map}]} {
    %mul3A = arith.constant 2 : i32
    %mul3A_0 = arith.muli %arg1, %mul3A : i32
    %add3A = arith.addi %mul3A_0, %arg0 : i32
    %mul3A_1 = arith.constant 632 : i32
    %mul3A_2 = arith.muli %arg1, %mul3A_1 : i32
    "tpu.region"() ({
      %run_scoped3A = tpu.sem_alloc : memref<!tpu.dma_semaphore, #tpu.memory_space<semaphore_mem>>
      %dma_start3A = arith.constant 0 : i32
      %dma_start3A_11 = tpu.memref_slice %arg7[%mul3A_2, %dma_start3A] : memref<10112x128xf32, #tpu.memory_space<vmem_shared>> -> memref<632x128xf32, #tpu.memory_space<vmem_shared>>
      tpu.enqueue_dma source(%arg5 : memref<632x128xf32, #tpu.memory_space<hbm>>) target(%dma_start3A_11 : memref<632x128xf32, #tpu.memory_space<vmem_shared>>) target_semaphore(%run_scoped3A : memref<!tpu.dma_semaphore, #tpu.memory_space<semaphore_mem>>)
      %dma_wait3A = arith.constant 0 : i32
      %dma_wait3A_12 = tpu.memref_slice %arg7[%mul3A_2, %dma_wait3A] : memref<10112x128xf32, #tpu.memory_space<vmem_shared>> -> memref<632x128xf32, #tpu.memory_space<vmem_shared>>
      tpu.wait_dma2 semaphore(%run_scoped3A : memref<!tpu.dma_semaphore, #tpu.memory_space<semaphore_mem>>) src(%arg5 : memref<632x128xf32, #tpu.memory_space<hbm>>) dst(%dma_wait3A_12 : memref<632x128xf32, #tpu.memory_space<vmem_shared>>)
      tpu.yield
    }) : () -> ()
    %barrier3A = arith.constant 0 : index
    tpu.barrier barrier_id(%barrier3A)
    %scan3A = arith.constant 0 : i32
    %scan3A_3 = arith.constant 79 : i32
    %scan3A_4 = arith.addi %scan3A, %scan3A_3 : i32
    %scan3A_5 = arith.constant 1 : i32
    scf.for %scan3A_11 = %scan3A to %scan3A_4 step %scan3A_5  : i32 {
      %mul3A_12 = arith.constant 1 : i32
      %mul3A_13 = arith.muli %scan3A_11, %mul3A_12 : i32
      %add3A_14 = arith.constant 0 : i32
      %add3A_15 = arith.addi %add3A_14, %mul3A_13 : i32
      %mul3A_16 = arith.constant 79 : i32
      %mul3A_17 = arith.muli %add3A, %mul3A_16 : i32
      %add3A_18 = arith.addi %mul3A_17, %add3A_15 : i32
      "tpu.region"() ({
        %run_scoped3A = tpu.sem_alloc : memref<!tpu.dma_semaphore, #tpu.memory_space<semaphore_mem>>
        %dma_start3A_23 = arith.constant 0 : i32
        %dma_start3A_24 = tpu.memref_slice %arg3[%add3A_18, %dma_start3A_23] : memref<2528x128xi32, #tpu.memory_space<hbm>> -> memref<1x128xi32, #tpu.memory_space<hbm>>
        %dma_start3A_25 = tpu.memref_squeeze %dma_start3A_24 : memref<1x128xi32, #tpu.memory_space<hbm>> -> memref<128xi32, #tpu.memory_space<hbm>>
        %dma_start3A_26 = arith.constant 0 : i32
        %dma_start3A_27 = tpu.memref_slice %arg3[%add3A_18, %dma_start3A_26] : memref<2528x128xi32, #tpu.memory_space<hbm>> -> memref<1x128xi32, #tpu.memory_space<hbm>>
        %dma_start3A_28 = tpu.memref_squeeze %dma_start3A_27 : memref<1x128xi32, #tpu.memory_space<hbm>> -> memref<128xi32, #tpu.memory_space<hbm>>
        tpu.enqueue_dma source(%dma_start3A_28 : memref<128xi32, #tpu.memory_space<hbm>>) target(%arg8 : memref<128xi32, #tpu.memory_space<vmem>>) target_semaphore(%run_scoped3A : memref<!tpu.dma_semaphore, #tpu.memory_space<semaphore_mem>>)
        %dma_wait3A_29 = arith.constant 0 : i32
        %dma_wait3A_30 = tpu.memref_slice %arg3[%add3A_18, %dma_wait3A_29] : memref<2528x128xi32, #tpu.memory_space<hbm>> -> memref<1x128xi32, #tpu.memory_space<hbm>>
        %dma_wait3A_31 = tpu.memref_squeeze %dma_wait3A_30 : memref<1x128xi32, #tpu.memory_space<hbm>> -> memref<128xi32, #tpu.memory_space<hbm>>
        %dma_wait3A_32 = arith.constant 0 : i32
        %dma_wait3A_33 = tpu.memref_slice %arg3[%add3A_18, %dma_wait3A_32] : memref<2528x128xi32, #tpu.memory_space<hbm>> -> memref<1x128xi32, #tpu.memory_space<hbm>>
        %dma_wait3A_34 = tpu.memref_squeeze %dma_wait3A_33 : memref<1x128xi32, #tpu.memory_space<hbm>> -> memref<128xi32, #tpu.memory_space<hbm>>
        tpu.wait_dma2 semaphore(%run_scoped3A : memref<!tpu.dma_semaphore, #tpu.memory_space<semaphore_mem>>) src(%dma_wait3A_34 : memref<128xi32, #tpu.memory_space<hbm>>) dst(%arg8 : memref<128xi32, #tpu.memory_space<vmem>>)
        tpu.yield
      }) : () -> ()
      "tpu.region"() ({
        %run_scoped3A = tpu.sem_alloc : memref<!tpu.dma_semaphore, #tpu.memory_space<semaphore_mem>>
        %dma_start3A_23 = arith.constant 0 : i32
        %dma_start3A_24 = tpu.memref_slice %arg4[%add3A_18, %dma_start3A_23] : memref<2528x128xi32, #tpu.memory_space<hbm>> -> memref<1x128xi32, #tpu.memory_space<hbm>>
        %dma_start3A_25 = tpu.memref_squeeze %dma_start3A_24 : memref<1x128xi32, #tpu.memory_space<hbm>> -> memref<128xi32, #tpu.memory_space<hbm>>
        %dma_start3A_26 = arith.constant 0 : i32
        %dma_start3A_27 = tpu.memref_slice %arg4[%add3A_18, %dma_start3A_26] : memref<2528x128xi32, #tpu.memory_space<hbm>> -> memref<1x128xi32, #tpu.memory_space<hbm>>
        %dma_start3A_28 = tpu.memref_squeeze %dma_start3A_27 : memref<1x128xi32, #tpu.memory_space<hbm>> -> memref<128xi32, #tpu.memory_space<hbm>>
        tpu.enqueue_dma source(%dma_start3A_28 : memref<128xi32, #tpu.memory_space<hbm>>) target(%arg9 : memref<128xi32, #tpu.memory_space<vmem>>) target_semaphore(%run_scoped3A : memref<!tpu.dma_semaphore, #tpu.memory_space<semaphore_mem>>)
        %dma_wait3A_29 = arith.constant 0 : i32
        %dma_wait3A_30 = tpu.memref_slice %arg4[%add3A_18, %dma_wait3A_29] : memref<2528x128xi32, #tpu.memory_space<hbm>> -> memref<1x128xi32, #tpu.memory_space<hbm>>
        %dma_wait3A_31 = tpu.memref_squeeze %dma_wait3A_30 : memref<1x128xi32, #tpu.memory_space<hbm>> -> memref<128xi32, #tpu.memory_space<hbm>>
        %dma_wait3A_32 = arith.constant 0 : i32
        %dma_wait3A_33 = tpu.memref_slice %arg4[%add3A_18, %dma_wait3A_32] : memref<2528x128xi32, #tpu.memory_space<hbm>> -> memref<1x128xi32, #tpu.memory_space<hbm>>
        %dma_wait3A_34 = tpu.memref_squeeze %dma_wait3A_33 : memref<1x128xi32, #tpu.memory_space<hbm>> -> memref<128xi32, #tpu.memory_space<hbm>>
        tpu.wait_dma2 semaphore(%run_scoped3A : memref<!tpu.dma_semaphore, #tpu.memory_space<semaphore_mem>>) src(%dma_wait3A_34 : memref<128xi32, #tpu.memory_space<hbm>>) dst(%arg9 : memref<128xi32, #tpu.memory_space<vmem>>)
        tpu.yield
      }) : () -> ()
      %dma_start3A = arith.constant 0 : i32
      %dma_start3A_19 = arith.constant 0 : i32
      %dma_start3A_20 = tpu.memref_slice %arg2[%dma_start3A, %dma_start3A_19] : memref<10112x128xf32, #tpu.memory_space<hbm>> -> memref<10112x128xf32, #tpu.memory_space<hbm>>
      tpu.enqueue_indirect_dma source(%dma_start3A_20 : memref<10112x128xf32, #tpu.memory_space<hbm>>) target(%arg10 : memref<128x128xf32, #tpu.memory_space<vmem>>) offsets(%arg8 : memref<128xi32, #tpu.memory_space<vmem>>) semaphore(%arg11 : memref<!tpu.dma_semaphore, #tpu.memory_space<semaphore_mem>>)
      %dma_wait3A = arith.constant 0 : i32
      %dma_wait3A_21 = arith.constant 0 : i32
      %dma_wait3A_22 = tpu.memref_slice %arg2[%dma_wait3A, %dma_wait3A_21] : memref<10112x128xf32, #tpu.memory_space<hbm>> -> memref<10112x128xf32, #tpu.memory_space<hbm>>
      tpu.wait_indirect_dma semaphore(%arg11 : memref<!tpu.dma_semaphore, #tpu.memory_space<semaphore_mem>>) src(%dma_wait3A_22 : memref<10112x128xf32, #tpu.memory_space<hbm>>) dst(%arg10 : memref<128x128xf32, #tpu.memory_space<vmem>>)
      "tpu.region"() ({
        %run_scoped3A = tpu.sem_alloc : memref<!tpu.dma_semaphore, #tpu.memory_space<semaphore_mem>>
        %dma_start3A_23 = arith.constant 0 : i32
        %dma_start3A_24 = arith.constant 0 : i32
        %dma_start3A_25 = tpu.memref_slice %arg7[%dma_start3A_23, %dma_start3A_24] : memref<10112x128xf32, #tpu.memory_space<vmem_shared>> -> memref<10112x128xf32, #tpu.memory_space<vmem_shared>>
        tpu.enqueue_indirect_dma source(%arg10 : memref<128x128xf32, #tpu.memory_space<vmem>>) target(%dma_start3A_25 : memref<10112x128xf32, #tpu.memory_space<vmem_shared>>) offsets(%arg9 : memref<128xi32, #tpu.memory_space<vmem>>) semaphore(%run_scoped3A : memref<!tpu.dma_semaphore, #tpu.memory_space<semaphore_mem>>) {add = true}
        %dma_wait3A_26 = arith.constant 0 : i32
        %dma_wait3A_27 = arith.constant 0 : i32
        %dma_wait3A_28 = tpu.memref_slice %arg7[%dma_wait3A_26, %dma_wait3A_27] : memref<10112x128xf32, #tpu.memory_space<vmem_shared>> -> memref<10112x128xf32, #tpu.memory_space<vmem_shared>>
        tpu.wait_indirect_dma semaphore(%run_scoped3A : memref<!tpu.dma_semaphore, #tpu.memory_space<semaphore_mem>>) src(%arg10 : memref<128x128xf32, #tpu.memory_space<vmem>>) dst(%dma_wait3A_28 : memref<10112x128xf32, #tpu.memory_space<vmem_shared>>)
        tpu.yield
      }) : () -> ()
    }
    %scan3A_6 = arith.constant 79 : i32
    %barrier3A_7 = arith.constant 0 : index
    tpu.barrier barrier_id(%barrier3A_7)
    %mul3A_8 = arith.constant 10112 : i32
    %mul3A_9 = arith.muli %arg0, %mul3A_8 : i32
    %add3A_10 = arith.addi %mul3A_9, %mul3A_2 : i32
    "tpu.region"() ({
      %run_scoped3A = tpu.sem_alloc : memref<!tpu.dma_semaphore, #tpu.memory_space<semaphore_mem>>
      %dma_start3A = arith.constant 0 : i32
      %dma_start3A_11 = tpu.memref_slice %arg6[%add3A_10, %dma_start3A] : memref<20224x128xf32, #tpu.memory_space<hbm>> -> memref<632x128xf32, #tpu.memory_space<hbm>>
      %dma_start3A_12 = arith.constant 0 : i32
      %dma_start3A_13 = tpu.memref_slice %arg7[%mul3A_2, %dma_start3A_12] : memref<10112x128xf32, #tpu.memory_space<vmem_shared>> -> memref<632x128xf32, #tpu.memory_space<vmem_shared>>
      tpu.enqueue_dma source(%dma_start3A_13 : memref<632x128xf32, #tpu.memory_space<vmem_shared>>) target(%dma_start3A_11 : memref<632x128xf32, #tpu.memory_space<hbm>>) target_semaphore(%run_scoped3A : memref<!tpu.dma_semaphore, #tpu.memory_space<semaphore_mem>>)
      %dma_wait3A = arith.constant 0 : i32
      %dma_wait3A_14 = tpu.memref_slice %arg6[%add3A_10, %dma_wait3A] : memref<20224x128xf32, #tpu.memory_space<hbm>> -> memref<632x128xf32, #tpu.memory_space<hbm>>
      %dma_wait3A_15 = arith.constant 0 : i32
      %dma_wait3A_16 = tpu.memref_slice %arg7[%mul3A_2, %dma_wait3A_15] : memref<10112x128xf32, #tpu.memory_space<vmem_shared>> -> memref<632x128xf32, #tpu.memory_space<vmem_shared>>
      tpu.wait_dma2 semaphore(%run_scoped3A : memref<!tpu.dma_semaphore, #tpu.memory_space<semaphore_mem>>) src(%dma_wait3A_16 : memref<632x128xf32, #tpu.memory_space<vmem_shared>>) dst(%dma_wait3A_14 : memref<632x128xf32, #tpu.memory_space<hbm>>)
      tpu.yield
    }) : () -> ()
    return
  }
}

#map = affine_map<(d0, d1) -> (0, 0)>
module attributes {stable_mosaic.version = 14 : i64} {
  func.func @_agg_call(%arg0: i32, %arg1: i32, %arg2: memref<10112x128xf32, #tpu.memory_space<hbm>>, %arg3: memref<2528x128xi32, #tpu.memory_space<hbm>>, %arg4: memref<2528x128xi32, #tpu.memory_space<hbm>>, %arg5: memref<632x128xf32, #tpu.memory_space<hbm>>, %arg6: memref<20224x128xf32, #tpu.memory_space<hbm>>, %arg7: memref<10112x128xf32, #tpu.memory_space<vmem_shared>>, %arg8: memref<128xi32, #tpu.memory_space<vmem>>, %arg9: memref<128xi32, #tpu.memory_space<vmem>>, %arg10: memref<128x128xf32, #tpu.memory_space<vmem>>, %arg11: memref<!tpu.dma_semaphore, #tpu.memory_space<semaphore_mem>>) attributes {dimension_semantics = [#tpu.dimension_semantics<core_parallel>, #tpu.dimension_semantics<subcore_parallel>], iteration_bounds = array<i64: 2, 16>, scalar_prefetch = 0 : i64, scratch_operands = 5 : i64, tpu.core_type = #tpu.core_type<sc_vector_subcore>, window_params = [{transform_indices = #map}, {transform_indices = #map}, {transform_indices = #map}, {transform_indices = #map}, {transform_indices = #map}]} {
    %mul3A = arith.constant 2 : i32
    %mul3A_0 = arith.muli %arg1, %mul3A : i32
    %add3A = arith.addi %mul3A_0, %arg0 : i32
    %mul3A_1 = arith.constant 632 : i32
    %mul3A_2 = arith.muli %arg1, %mul3A_1 : i32
    "tpu.region"() ({
      %run_scoped3A = tpu.sem_alloc : memref<!tpu.dma_semaphore, #tpu.memory_space<semaphore_mem>>
      %dma_start3A = arith.constant 0 : i32
      %dma_start3A_11 = tpu.memref_slice %arg7[%mul3A_2, %dma_start3A] : memref<10112x128xf32, #tpu.memory_space<vmem_shared>> -> memref<632x128xf32, #tpu.memory_space<vmem_shared>>
      tpu.enqueue_dma source(%arg5 : memref<632x128xf32, #tpu.memory_space<hbm>>) target(%dma_start3A_11 : memref<632x128xf32, #tpu.memory_space<vmem_shared>>) target_semaphore(%run_scoped3A : memref<!tpu.dma_semaphore, #tpu.memory_space<semaphore_mem>>)
      %dma_wait3A = arith.constant 0 : i32
      %dma_wait3A_12 = tpu.memref_slice %arg7[%mul3A_2, %dma_wait3A] : memref<10112x128xf32, #tpu.memory_space<vmem_shared>> -> memref<632x128xf32, #tpu.memory_space<vmem_shared>>
      tpu.wait_dma2 semaphore(%run_scoped3A : memref<!tpu.dma_semaphore, #tpu.memory_space<semaphore_mem>>) src(%arg5 : memref<632x128xf32, #tpu.memory_space<hbm>>) dst(%dma_wait3A_12 : memref<632x128xf32, #tpu.memory_space<vmem_shared>>)
      tpu.yield
    }) : () -> ()
    %barrier3A = arith.constant 0 : index
    tpu.barrier barrier_id(%barrier3A)
    %scan3A = arith.constant 0 : i32
    %scan3A_3 = arith.constant 79 : i32
    %scan3A_4 = arith.addi %scan3A, %scan3A_3 : i32
    %scan3A_5 = arith.constant 1 : i32
    scf.for %scan3A_11 = %scan3A to %scan3A_4 step %scan3A_5  : i32 {
      %mul3A_12 = arith.constant 1 : i32
      %mul3A_13 = arith.muli %scan3A_11, %mul3A_12 : i32
      %add3A_14 = arith.constant 0 : i32
      %add3A_15 = arith.addi %add3A_14, %mul3A_13 : i32
      %mul3A_16 = arith.constant 79 : i32
      %mul3A_17 = arith.muli %add3A, %mul3A_16 : i32
      %add3A_18 = arith.addi %mul3A_17, %add3A_15 : i32
      "tpu.region"() ({
        %run_scoped3A = tpu.sem_alloc : memref<!tpu.dma_semaphore, #tpu.memory_space<semaphore_mem>>
        %dma_start3A_23 = arith.constant 0 : i32
        %dma_start3A_24 = tpu.memref_slice %arg3[%add3A_18, %dma_start3A_23] : memref<2528x128xi32, #tpu.memory_space<hbm>> -> memref<1x128xi32, #tpu.memory_space<hbm>>
        %dma_start3A_25 = tpu.memref_squeeze %dma_start3A_24 : memref<1x128xi32, #tpu.memory_space<hbm>> -> memref<128xi32, #tpu.memory_space<hbm>>
        %dma_start3A_26 = arith.constant 0 : i32
        %dma_start3A_27 = tpu.memref_slice %arg3[%add3A_18, %dma_start3A_26] : memref<2528x128xi32, #tpu.memory_space<hbm>> -> memref<1x128xi32, #tpu.memory_space<hbm>>
        %dma_start3A_28 = tpu.memref_squeeze %dma_start3A_27 : memref<1x128xi32, #tpu.memory_space<hbm>> -> memref<128xi32, #tpu.memory_space<hbm>>
        tpu.enqueue_dma source(%dma_start3A_28 : memref<128xi32, #tpu.memory_space<hbm>>) target(%arg8 : memref<128xi32, #tpu.memory_space<vmem>>) target_semaphore(%run_scoped3A : memref<!tpu.dma_semaphore, #tpu.memory_space<semaphore_mem>>)
        %dma_wait3A_29 = arith.constant 0 : i32
        %dma_wait3A_30 = tpu.memref_slice %arg3[%add3A_18, %dma_wait3A_29] : memref<2528x128xi32, #tpu.memory_space<hbm>> -> memref<1x128xi32, #tpu.memory_space<hbm>>
        %dma_wait3A_31 = tpu.memref_squeeze %dma_wait3A_30 : memref<1x128xi32, #tpu.memory_space<hbm>> -> memref<128xi32, #tpu.memory_space<hbm>>
        %dma_wait3A_32 = arith.constant 0 : i32
        %dma_wait3A_33 = tpu.memref_slice %arg3[%add3A_18, %dma_wait3A_32] : memref<2528x128xi32, #tpu.memory_space<hbm>> -> memref<1x128xi32, #tpu.memory_space<hbm>>
        %dma_wait3A_34 = tpu.memref_squeeze %dma_wait3A_33 : memref<1x128xi32, #tpu.memory_space<hbm>> -> memref<128xi32, #tpu.memory_space<hbm>>
        tpu.wait_dma2 semaphore(%run_scoped3A : memref<!tpu.dma_semaphore, #tpu.memory_space<semaphore_mem>>) src(%dma_wait3A_34 : memref<128xi32, #tpu.memory_space<hbm>>) dst(%arg8 : memref<128xi32, #tpu.memory_space<vmem>>)
        tpu.yield
      }) : () -> ()
      "tpu.region"() ({
        %run_scoped3A = tpu.sem_alloc : memref<!tpu.dma_semaphore, #tpu.memory_space<semaphore_mem>>
        %dma_start3A_23 = arith.constant 0 : i32
        %dma_start3A_24 = tpu.memref_slice %arg4[%add3A_18, %dma_start3A_23] : memref<2528x128xi32, #tpu.memory_space<hbm>> -> memref<1x128xi32, #tpu.memory_space<hbm>>
        %dma_start3A_25 = tpu.memref_squeeze %dma_start3A_24 : memref<1x128xi32, #tpu.memory_space<hbm>> -> memref<128xi32, #tpu.memory_space<hbm>>
        %dma_start3A_26 = arith.constant 0 : i32
        %dma_start3A_27 = tpu.memref_slice %arg4[%add3A_18, %dma_start3A_26] : memref<2528x128xi32, #tpu.memory_space<hbm>> -> memref<1x128xi32, #tpu.memory_space<hbm>>
        %dma_start3A_28 = tpu.memref_squeeze %dma_start3A_27 : memref<1x128xi32, #tpu.memory_space<hbm>> -> memref<128xi32, #tpu.memory_space<hbm>>
        tpu.enqueue_dma source(%dma_start3A_28 : memref<128xi32, #tpu.memory_space<hbm>>) target(%arg9 : memref<128xi32, #tpu.memory_space<vmem>>) target_semaphore(%run_scoped3A : memref<!tpu.dma_semaphore, #tpu.memory_space<semaphore_mem>>)
        %dma_wait3A_29 = arith.constant 0 : i32
        %dma_wait3A_30 = tpu.memref_slice %arg4[%add3A_18, %dma_wait3A_29] : memref<2528x128xi32, #tpu.memory_space<hbm>> -> memref<1x128xi32, #tpu.memory_space<hbm>>
        %dma_wait3A_31 = tpu.memref_squeeze %dma_wait3A_30 : memref<1x128xi32, #tpu.memory_space<hbm>> -> memref<128xi32, #tpu.memory_space<hbm>>
        %dma_wait3A_32 = arith.constant 0 : i32
        %dma_wait3A_33 = tpu.memref_slice %arg4[%add3A_18, %dma_wait3A_32] : memref<2528x128xi32, #tpu.memory_space<hbm>> -> memref<1x128xi32, #tpu.memory_space<hbm>>
        %dma_wait3A_34 = tpu.memref_squeeze %dma_wait3A_33 : memref<1x128xi32, #tpu.memory_space<hbm>> -> memref<128xi32, #tpu.memory_space<hbm>>
        tpu.wait_dma2 semaphore(%run_scoped3A : memref<!tpu.dma_semaphore, #tpu.memory_space<semaphore_mem>>) src(%dma_wait3A_34 : memref<128xi32, #tpu.memory_space<hbm>>) dst(%arg9 : memref<128xi32, #tpu.memory_space<vmem>>)
        tpu.yield
      }) : () -> ()
      %dma_start3A = arith.constant 0 : i32
      %dma_start3A_19 = arith.constant 0 : i32
      %dma_start3A_20 = tpu.memref_slice %arg2[%dma_start3A, %dma_start3A_19] : memref<10112x128xf32, #tpu.memory_space<hbm>> -> memref<10112x128xf32, #tpu.memory_space<hbm>>
      tpu.enqueue_indirect_dma source(%dma_start3A_20 : memref<10112x128xf32, #tpu.memory_space<hbm>>) target(%arg10 : memref<128x128xf32, #tpu.memory_space<vmem>>) offsets(%arg8 : memref<128xi32, #tpu.memory_space<vmem>>) semaphore(%arg11 : memref<!tpu.dma_semaphore, #tpu.memory_space<semaphore_mem>>)
      %dma_wait3A = arith.constant 0 : i32
      %dma_wait3A_21 = arith.constant 0 : i32
      %dma_wait3A_22 = tpu.memref_slice %arg2[%dma_wait3A, %dma_wait3A_21] : memref<10112x128xf32, #tpu.memory_space<hbm>> -> memref<10112x128xf32, #tpu.memory_space<hbm>>
      tpu.wait_indirect_dma semaphore(%arg11 : memref<!tpu.dma_semaphore, #tpu.memory_space<semaphore_mem>>) src(%dma_wait3A_22 : memref<10112x128xf32, #tpu.memory_space<hbm>>) dst(%arg10 : memref<128x128xf32, #tpu.memory_space<vmem>>)
      "tpu.region"() ({
        %run_scoped3A = tpu.sem_alloc : memref<!tpu.dma_semaphore, #tpu.memory_space<semaphore_mem>>
        %dma_start3A_23 = arith.constant 0 : i32
        %dma_start3A_24 = arith.constant 0 : i32
        %dma_start3A_25 = tpu.memref_slice %arg7[%dma_start3A_23, %dma_start3A_24] : memref<10112x128xf32, #tpu.memory_space<vmem_shared>> -> memref<10112x128xf32, #tpu.memory_space<vmem_shared>>
        tpu.enqueue_indirect_dma source(%arg10 : memref<128x128xf32, #tpu.memory_space<vmem>>) target(%dma_start3A_25 : memref<10112x128xf32, #tpu.memory_space<vmem_shared>>) offsets(%arg9 : memref<128xi32, #tpu.memory_space<vmem>>) semaphore(%run_scoped3A : memref<!tpu.dma_semaphore, #tpu.memory_space<semaphore_mem>>) {add = true}
        %dma_wait3A_26 = arith.constant 0 : i32
        %dma_wait3A_27 = arith.constant 0 : i32
        %dma_wait3A_28 = tpu.memref_slice %arg7[%dma_wait3A_26, %dma_wait3A_27] : memref<10112x128xf32, #tpu.memory_space<vmem_shared>> -> memref<10112x128xf32, #tpu.memory_space<vmem_shared>>
        tpu.wait_indirect_dma semaphore(%run_scoped3A : memref<!tpu.dma_semaphore, #tpu.memory_space<semaphore_mem>>) src(%arg10 : memref<128x128xf32, #tpu.memory_space<vmem>>) dst(%dma_wait3A_28 : memref<10112x128xf32, #tpu.memory_space<vmem_shared>>)
        tpu.yield
      }) : () -> ()
    }
    %scan3A_6 = arith.constant 79 : i32
    %barrier3A_7 = arith.constant 0 : index
    tpu.barrier barrier_id(%barrier3A_7)
    %mul3A_8 = arith.constant 10112 : i32
    %mul3A_9 = arith.muli %arg0, %mul3A_8 : i32
    %add3A_10 = arith.addi %mul3A_9, %mul3A_2 : i32
    "tpu.region"() ({
      %run_scoped3A = tpu.sem_alloc : memref<!tpu.dma_semaphore, #tpu.memory_space<semaphore_mem>>
      %dma_start3A = arith.constant 0 : i32
      %dma_start3A_11 = tpu.memref_slice %arg6[%add3A_10, %dma_start3A] : memref<20224x128xf32, #tpu.memory_space<hbm>> -> memref<632x128xf32, #tpu.memory_space<hbm>>
      %dma_start3A_12 = arith.constant 0 : i32
      %dma_start3A_13 = tpu.memref_slice %arg7[%mul3A_2, %dma_start3A_12] : memref<10112x128xf32, #tpu.memory_space<vmem_shared>> -> memref<632x128xf32, #tpu.memory_space<vmem_shared>>
      tpu.enqueue_dma source(%dma_start3A_13 : memref<632x128xf32, #tpu.memory_space<vmem_shared>>) target(%dma_start3A_11 : memref<632x128xf32, #tpu.memory_space<hbm>>) target_semaphore(%run_scoped3A : memref<!tpu.dma_semaphore, #tpu.memory_space<semaphore_mem>>)
      %dma_wait3A = arith.constant 0 : i32
      %dma_wait3A_14 = tpu.memref_slice %arg6[%add3A_10, %dma_wait3A] : memref<20224x128xf32, #tpu.memory_space<hbm>> -> memref<632x128xf32, #tpu.memory_space<hbm>>
      %dma_wait3A_15 = arith.constant 0 : i32
      %dma_wait3A_16 = tpu.memref_slice %arg7[%mul3A_2, %dma_wait3A_15] : memref<10112x128xf32, #tpu.memory_space<vmem_shared>> -> memref<632x128xf32, #tpu.memory_space<vmem_shared>>
      tpu.wait_dma2 semaphore(%run_scoped3A : memref<!tpu.dma_semaphore, #tpu.memory_space<semaphore_mem>>) src(%dma_wait3A_16 : memref<632x128xf32, #tpu.memory_space<vmem_shared>>) dst(%dma_wait3A_14 : memref<632x128xf32, #tpu.memory_space<hbm>>)
      tpu.yield
    }) : () -> ()
    return
  }
}

#map = affine_map<(d0, d1) -> (0, 0)>
module attributes {stable_mosaic.version = 14 : i64} {
  func.func @_deg_call(%arg0: i32, %arg1: i32, %arg2: memref<5024x128xi32, #tpu.memory_space<hbm>>, %arg3: memref<128x16xf32, #tpu.memory_space<hbm>>, %arg4: memref<1272x16xf32, #tpu.memory_space<hbm>>, %arg5: memref<40704x16xf32, #tpu.memory_space<hbm>>, %arg6: memref<20352x16xf32, #tpu.memory_space<vmem_shared>>, %arg7: memref<128xi32, #tpu.memory_space<vmem>>, %arg8: memref<128x16xf32, #tpu.memory_space<vmem>>) attributes {dimension_semantics = [#tpu.dimension_semantics<core_parallel>, #tpu.dimension_semantics<subcore_parallel>], iteration_bounds = array<i64: 2, 16>, scalar_prefetch = 0 : i64, scratch_operands = 3 : i64, tpu.core_type = #tpu.core_type<sc_vector_subcore>, window_params = [{transform_indices = #map}, {transform_indices = #map}, {transform_indices = #map}, {transform_indices = #map}]} {
    %mul3A = arith.constant 2 : i32
    %mul3A_0 = arith.muli %arg1, %mul3A : i32
    %add3A = arith.addi %mul3A_0, %arg0 : i32
    %mul3A_1 = arith.constant 1272 : i32
    %mul3A_2 = arith.muli %arg1, %mul3A_1 : i32
    "tpu.region"() ({
      %run_scoped3A = tpu.sem_alloc : memref<!tpu.dma_semaphore, #tpu.memory_space<semaphore_mem>>
      tpu.enqueue_dma source(%arg3 : memref<128x16xf32, #tpu.memory_space<hbm>>) target(%arg8 : memref<128x16xf32, #tpu.memory_space<vmem>>) target_semaphore(%run_scoped3A : memref<!tpu.dma_semaphore, #tpu.memory_space<semaphore_mem>>)
      tpu.wait_dma2 semaphore(%run_scoped3A : memref<!tpu.dma_semaphore, #tpu.memory_space<semaphore_mem>>) src(%arg3 : memref<128x16xf32, #tpu.memory_space<hbm>>) dst(%arg8 : memref<128x16xf32, #tpu.memory_space<vmem>>)
      tpu.yield
    }) : () -> ()
    "tpu.region"() ({
      %run_scoped3A = tpu.sem_alloc : memref<!tpu.dma_semaphore, #tpu.memory_space<semaphore_mem>>
      %dma_start3A = arith.constant 0 : i32
      %dma_start3A_11 = tpu.memref_slice %arg6[%mul3A_2, %dma_start3A] : memref<20352x16xf32, #tpu.memory_space<vmem_shared>> -> memref<1272x16xf32, #tpu.memory_space<vmem_shared>>
      tpu.enqueue_dma source(%arg4 : memref<1272x16xf32, #tpu.memory_space<hbm>>) target(%dma_start3A_11 : memref<1272x16xf32, #tpu.memory_space<vmem_shared>>) target_semaphore(%run_scoped3A : memref<!tpu.dma_semaphore, #tpu.memory_space<semaphore_mem>>)
      %dma_wait3A = arith.constant 0 : i32
      %dma_wait3A_12 = tpu.memref_slice %arg6[%mul3A_2, %dma_wait3A] : memref<20352x16xf32, #tpu.memory_space<vmem_shared>> -> memref<1272x16xf32, #tpu.memory_space<vmem_shared>>
      tpu.wait_dma2 semaphore(%run_scoped3A : memref<!tpu.dma_semaphore, #tpu.memory_space<semaphore_mem>>) src(%arg4 : memref<1272x16xf32, #tpu.memory_space<hbm>>) dst(%dma_wait3A_12 : memref<1272x16xf32, #tpu.memory_space<vmem_shared>>)
      tpu.yield
    }) : () -> ()
    %barrier3A = arith.constant 0 : index
    tpu.barrier barrier_id(%barrier3A)
    %scan3A = arith.constant 0 : i32
    %scan3A_3 = arith.constant 157 : i32
    %scan3A_4 = arith.addi %scan3A, %scan3A_3 : i32
    %scan3A_5 = arith.constant 1 : i32
    scf.for %scan3A_11 = %scan3A to %scan3A_4 step %scan3A_5  : i32 {
      %mul3A_12 = arith.constant 1 : i32
      %mul3A_13 = arith.muli %scan3A_11, %mul3A_12 : i32
      %add3A_14 = arith.constant 0 : i32
      %add3A_15 = arith.addi %add3A_14, %mul3A_13 : i32
      %mul3A_16 = arith.constant 157 : i32
      %mul3A_17 = arith.muli %add3A, %mul3A_16 : i32
      %add3A_18 = arith.addi %mul3A_17, %add3A_15 : i32
      "tpu.region"() ({
        %run_scoped3A = tpu.sem_alloc : memref<!tpu.dma_semaphore, #tpu.memory_space<semaphore_mem>>
        %dma_start3A = arith.constant 0 : i32
        %dma_start3A_19 = tpu.memref_slice %arg2[%add3A_18, %dma_start3A] : memref<5024x128xi32, #tpu.memory_space<hbm>> -> memref<1x128xi32, #tpu.memory_space<hbm>>
        %dma_start3A_20 = tpu.memref_squeeze %dma_start3A_19 : memref<1x128xi32, #tpu.memory_space<hbm>> -> memref<128xi32, #tpu.memory_space<hbm>>
        %dma_start3A_21 = arith.constant 0 : i32
        %dma_start3A_22 = tpu.memref_slice %arg2[%add3A_18, %dma_start3A_21] : memref<5024x128xi32, #tpu.memory_space<hbm>> -> memref<1x128xi32, #tpu.memory_space<hbm>>
        %dma_start3A_23 = tpu.memref_squeeze %dma_start3A_22 : memref<1x128xi32, #tpu.memory_space<hbm>> -> memref<128xi32, #tpu.memory_space<hbm>>
        tpu.enqueue_dma source(%dma_start3A_23 : memref<128xi32, #tpu.memory_space<hbm>>) target(%arg7 : memref<128xi32, #tpu.memory_space<vmem>>) target_semaphore(%run_scoped3A : memref<!tpu.dma_semaphore, #tpu.memory_space<semaphore_mem>>)
        %dma_wait3A = arith.constant 0 : i32
        %dma_wait3A_24 = tpu.memref_slice %arg2[%add3A_18, %dma_wait3A] : memref<5024x128xi32, #tpu.memory_space<hbm>> -> memref<1x128xi32, #tpu.memory_space<hbm>>
        %dma_wait3A_25 = tpu.memref_squeeze %dma_wait3A_24 : memref<1x128xi32, #tpu.memory_space<hbm>> -> memref<128xi32, #tpu.memory_space<hbm>>
        %dma_wait3A_26 = arith.constant 0 : i32
        %dma_wait3A_27 = tpu.memref_slice %arg2[%add3A_18, %dma_wait3A_26] : memref<5024x128xi32, #tpu.memory_space<hbm>> -> memref<1x128xi32, #tpu.memory_space<hbm>>
        %dma_wait3A_28 = tpu.memref_squeeze %dma_wait3A_27 : memref<1x128xi32, #tpu.memory_space<hbm>> -> memref<128xi32, #tpu.memory_space<hbm>>
        tpu.wait_dma2 semaphore(%run_scoped3A : memref<!tpu.dma_semaphore, #tpu.memory_space<semaphore_mem>>) src(%dma_wait3A_28 : memref<128xi32, #tpu.memory_space<hbm>>) dst(%arg7 : memref<128xi32, #tpu.memory_space<vmem>>)
        tpu.yield
      }) : () -> ()
      "tpu.region"() ({
        %run_scoped3A = tpu.sem_alloc : memref<!tpu.dma_semaphore, #tpu.memory_space<semaphore_mem>>
        %dma_start3A = arith.constant 0 : i32
        %dma_start3A_19 = arith.constant 0 : i32
        %dma_start3A_20 = tpu.memref_slice %arg6[%dma_start3A, %dma_start3A_19] : memref<20352x16xf32, #tpu.memory_space<vmem_shared>> -> memref<20352x16xf32, #tpu.memory_space<vmem_shared>>
        tpu.enqueue_indirect_dma source(%arg8 : memref<128x16xf32, #tpu.memory_space<vmem>>) target(%dma_start3A_20 : memref<20352x16xf32, #tpu.memory_space<vmem_shared>>) offsets(%arg7 : memref<128xi32, #tpu.memory_space<vmem>>) semaphore(%run_scoped3A : memref<!tpu.dma_semaphore, #tpu.memory_space<semaphore_mem>>) {add = true}
        %dma_wait3A = arith.constant 0 : i32
        %dma_wait3A_21 = arith.constant 0 : i32
        %dma_wait3A_22 = tpu.memref_slice %arg6[%dma_wait3A, %dma_wait3A_21] : memref<20352x16xf32, #tpu.memory_space<vmem_shared>> -> memref<20352x16xf32, #tpu.memory_space<vmem_shared>>
        tpu.wait_indirect_dma semaphore(%run_scoped3A : memref<!tpu.dma_semaphore, #tpu.memory_space<semaphore_mem>>) src(%arg8 : memref<128x16xf32, #tpu.memory_space<vmem>>) dst(%dma_wait3A_22 : memref<20352x16xf32, #tpu.memory_space<vmem_shared>>)
        tpu.yield
      }) : () -> ()
    }
    %scan3A_6 = arith.constant 157 : i32
    %barrier3A_7 = arith.constant 0 : index
    tpu.barrier barrier_id(%barrier3A_7)
    %mul3A_8 = arith.constant 20352 : i32
    %mul3A_9 = arith.muli %arg0, %mul3A_8 : i32
    %add3A_10 = arith.addi %mul3A_9, %mul3A_2 : i32
    "tpu.region"() ({
      %run_scoped3A = tpu.sem_alloc : memref<!tpu.dma_semaphore, #tpu.memory_space<semaphore_mem>>
      %dma_start3A = arith.constant 0 : i32
      %dma_start3A_11 = tpu.memref_slice %arg5[%add3A_10, %dma_start3A] : memref<40704x16xf32, #tpu.memory_space<hbm>> -> memref<1272x16xf32, #tpu.memory_space<hbm>>
      %dma_start3A_12 = arith.constant 0 : i32
      %dma_start3A_13 = tpu.memref_slice %arg6[%mul3A_2, %dma_start3A_12] : memref<20352x16xf32, #tpu.memory_space<vmem_shared>> -> memref<1272x16xf32, #tpu.memory_space<vmem_shared>>
      tpu.enqueue_dma source(%dma_start3A_13 : memref<1272x16xf32, #tpu.memory_space<vmem_shared>>) target(%dma_start3A_11 : memref<1272x16xf32, #tpu.memory_space<hbm>>) target_semaphore(%run_scoped3A : memref<!tpu.dma_semaphore, #tpu.memory_space<semaphore_mem>>)
      %dma_wait3A = arith.constant 0 : i32
      %dma_wait3A_14 = tpu.memref_slice %arg5[%add3A_10, %dma_wait3A] : memref<40704x16xf32, #tpu.memory_space<hbm>> -> memref<1272x16xf32, #tpu.memory_space<hbm>>
      %dma_wait3A_15 = arith.constant 0 : i32
      %dma_wait3A_16 = tpu.memref_slice %arg6[%mul3A_2, %dma_wait3A_15] : memref<20352x16xf32, #tpu.memory_space<vmem_shared>> -> memref<1272x16xf32, #tpu.memory_space<vmem_shared>>
      tpu.wait_dma2 semaphore(%run_scoped3A : memref<!tpu.dma_semaphore, #tpu.memory_space<semaphore_mem>>) src(%dma_wait3A_16 : memref<1272x16xf32, #tpu.memory_space<vmem_shared>>) dst(%dma_wait3A_14 : memref<1272x16xf32, #tpu.memory_space<hbm>>)
      tpu.yield
    }) : () -> ()
    return
  }
}

#map = affine_map<(d0, d1) -> (0, 0)>
module attributes {stable_mosaic.version = 14 : i64} {
  func.func @_agg_call(%arg0: i32, %arg1: i32, %arg2: memref<10112x128xf32, #tpu.memory_space<hbm>>, %arg3: memref<2528x128xi32, #tpu.memory_space<hbm>>, %arg4: memref<2528x128xi32, #tpu.memory_space<hbm>>, %arg5: memref<632x128xf32, #tpu.memory_space<hbm>>, %arg6: memref<20224x128xf32, #tpu.memory_space<hbm>>, %arg7: memref<10112x128xf32, #tpu.memory_space<vmem_shared>>, %arg8: memref<128xi32, #tpu.memory_space<vmem>>, %arg9: memref<128xi32, #tpu.memory_space<vmem>>, %arg10: memref<128x128xf32, #tpu.memory_space<vmem>>, %arg11: memref<!tpu.dma_semaphore, #tpu.memory_space<semaphore_mem>>) attributes {dimension_semantics = [#tpu.dimension_semantics<core_parallel>, #tpu.dimension_semantics<subcore_parallel>], iteration_bounds = array<i64: 2, 16>, scalar_prefetch = 0 : i64, scratch_operands = 5 : i64, tpu.core_type = #tpu.core_type<sc_vector_subcore>, window_params = [{transform_indices = #map}, {transform_indices = #map}, {transform_indices = #map}, {transform_indices = #map}, {transform_indices = #map}]} {
    %mul3A = arith.constant 2 : i32
    %mul3A_0 = arith.muli %arg1, %mul3A : i32
    %add3A = arith.addi %mul3A_0, %arg0 : i32
    %mul3A_1 = arith.constant 632 : i32
    %mul3A_2 = arith.muli %arg1, %mul3A_1 : i32
    "tpu.region"() ({
      %run_scoped3A = tpu.sem_alloc : memref<!tpu.dma_semaphore, #tpu.memory_space<semaphore_mem>>
      %dma_start3A = arith.constant 0 : i32
      %dma_start3A_11 = tpu.memref_slice %arg7[%mul3A_2, %dma_start3A] : memref<10112x128xf32, #tpu.memory_space<vmem_shared>> -> memref<632x128xf32, #tpu.memory_space<vmem_shared>>
      tpu.enqueue_dma source(%arg5 : memref<632x128xf32, #tpu.memory_space<hbm>>) target(%dma_start3A_11 : memref<632x128xf32, #tpu.memory_space<vmem_shared>>) target_semaphore(%run_scoped3A : memref<!tpu.dma_semaphore, #tpu.memory_space<semaphore_mem>>)
      %dma_wait3A = arith.constant 0 : i32
      %dma_wait3A_12 = tpu.memref_slice %arg7[%mul3A_2, %dma_wait3A] : memref<10112x128xf32, #tpu.memory_space<vmem_shared>> -> memref<632x128xf32, #tpu.memory_space<vmem_shared>>
      tpu.wait_dma2 semaphore(%run_scoped3A : memref<!tpu.dma_semaphore, #tpu.memory_space<semaphore_mem>>) src(%arg5 : memref<632x128xf32, #tpu.memory_space<hbm>>) dst(%dma_wait3A_12 : memref<632x128xf32, #tpu.memory_space<vmem_shared>>)
      tpu.yield
    }) : () -> ()
    %barrier3A = arith.constant 0 : index
    tpu.barrier barrier_id(%barrier3A)
    %scan3A = arith.constant 0 : i32
    %scan3A_3 = arith.constant 79 : i32
    %scan3A_4 = arith.addi %scan3A, %scan3A_3 : i32
    %scan3A_5 = arith.constant 1 : i32
    scf.for %scan3A_11 = %scan3A to %scan3A_4 step %scan3A_5  : i32 {
      %mul3A_12 = arith.constant 1 : i32
      %mul3A_13 = arith.muli %scan3A_11, %mul3A_12 : i32
      %add3A_14 = arith.constant 0 : i32
      %add3A_15 = arith.addi %add3A_14, %mul3A_13 : i32
      %mul3A_16 = arith.constant 79 : i32
      %mul3A_17 = arith.muli %add3A, %mul3A_16 : i32
      %add3A_18 = arith.addi %mul3A_17, %add3A_15 : i32
      "tpu.region"() ({
        %run_scoped3A = tpu.sem_alloc : memref<!tpu.dma_semaphore, #tpu.memory_space<semaphore_mem>>
        %dma_start3A_23 = arith.constant 0 : i32
        %dma_start3A_24 = tpu.memref_slice %arg3[%add3A_18, %dma_start3A_23] : memref<2528x128xi32, #tpu.memory_space<hbm>> -> memref<1x128xi32, #tpu.memory_space<hbm>>
        %dma_start3A_25 = tpu.memref_squeeze %dma_start3A_24 : memref<1x128xi32, #tpu.memory_space<hbm>> -> memref<128xi32, #tpu.memory_space<hbm>>
        %dma_start3A_26 = arith.constant 0 : i32
        %dma_start3A_27 = tpu.memref_slice %arg3[%add3A_18, %dma_start3A_26] : memref<2528x128xi32, #tpu.memory_space<hbm>> -> memref<1x128xi32, #tpu.memory_space<hbm>>
        %dma_start3A_28 = tpu.memref_squeeze %dma_start3A_27 : memref<1x128xi32, #tpu.memory_space<hbm>> -> memref<128xi32, #tpu.memory_space<hbm>>
        tpu.enqueue_dma source(%dma_start3A_28 : memref<128xi32, #tpu.memory_space<hbm>>) target(%arg8 : memref<128xi32, #tpu.memory_space<vmem>>) target_semaphore(%run_scoped3A : memref<!tpu.dma_semaphore, #tpu.memory_space<semaphore_mem>>)
        %dma_wait3A_29 = arith.constant 0 : i32
        %dma_wait3A_30 = tpu.memref_slice %arg3[%add3A_18, %dma_wait3A_29] : memref<2528x128xi32, #tpu.memory_space<hbm>> -> memref<1x128xi32, #tpu.memory_space<hbm>>
        %dma_wait3A_31 = tpu.memref_squeeze %dma_wait3A_30 : memref<1x128xi32, #tpu.memory_space<hbm>> -> memref<128xi32, #tpu.memory_space<hbm>>
        %dma_wait3A_32 = arith.constant 0 : i32
        %dma_wait3A_33 = tpu.memref_slice %arg3[%add3A_18, %dma_wait3A_32] : memref<2528x128xi32, #tpu.memory_space<hbm>> -> memref<1x128xi32, #tpu.memory_space<hbm>>
        %dma_wait3A_34 = tpu.memref_squeeze %dma_wait3A_33 : memref<1x128xi32, #tpu.memory_space<hbm>> -> memref<128xi32, #tpu.memory_space<hbm>>
        tpu.wait_dma2 semaphore(%run_scoped3A : memref<!tpu.dma_semaphore, #tpu.memory_space<semaphore_mem>>) src(%dma_wait3A_34 : memref<128xi32, #tpu.memory_space<hbm>>) dst(%arg8 : memref<128xi32, #tpu.memory_space<vmem>>)
        tpu.yield
      }) : () -> ()
      "tpu.region"() ({
        %run_scoped3A = tpu.sem_alloc : memref<!tpu.dma_semaphore, #tpu.memory_space<semaphore_mem>>
        %dma_start3A_23 = arith.constant 0 : i32
        %dma_start3A_24 = tpu.memref_slice %arg4[%add3A_18, %dma_start3A_23] : memref<2528x128xi32, #tpu.memory_space<hbm>> -> memref<1x128xi32, #tpu.memory_space<hbm>>
        %dma_start3A_25 = tpu.memref_squeeze %dma_start3A_24 : memref<1x128xi32, #tpu.memory_space<hbm>> -> memref<128xi32, #tpu.memory_space<hbm>>
        %dma_start3A_26 = arith.constant 0 : i32
        %dma_start3A_27 = tpu.memref_slice %arg4[%add3A_18, %dma_start3A_26] : memref<2528x128xi32, #tpu.memory_space<hbm>> -> memref<1x128xi32, #tpu.memory_space<hbm>>
        %dma_start3A_28 = tpu.memref_squeeze %dma_start3A_27 : memref<1x128xi32, #tpu.memory_space<hbm>> -> memref<128xi32, #tpu.memory_space<hbm>>
        tpu.enqueue_dma source(%dma_start3A_28 : memref<128xi32, #tpu.memory_space<hbm>>) target(%arg9 : memref<128xi32, #tpu.memory_space<vmem>>) target_semaphore(%run_scoped3A : memref<!tpu.dma_semaphore, #tpu.memory_space<semaphore_mem>>)
        %dma_wait3A_29 = arith.constant 0 : i32
        %dma_wait3A_30 = tpu.memref_slice %arg4[%add3A_18, %dma_wait3A_29] : memref<2528x128xi32, #tpu.memory_space<hbm>> -> memref<1x128xi32, #tpu.memory_space<hbm>>
        %dma_wait3A_31 = tpu.memref_squeeze %dma_wait3A_30 : memref<1x128xi32, #tpu.memory_space<hbm>> -> memref<128xi32, #tpu.memory_space<hbm>>
        %dma_wait3A_32 = arith.constant 0 : i32
        %dma_wait3A_33 = tpu.memref_slice %arg4[%add3A_18, %dma_wait3A_32] : memref<2528x128xi32, #tpu.memory_space<hbm>> -> memref<1x128xi32, #tpu.memory_space<hbm>>
        %dma_wait3A_34 = tpu.memref_squeeze %dma_wait3A_33 : memref<1x128xi32, #tpu.memory_space<hbm>> -> memref<128xi32, #tpu.memory_space<hbm>>
        tpu.wait_dma2 semaphore(%run_scoped3A : memref<!tpu.dma_semaphore, #tpu.memory_space<semaphore_mem>>) src(%dma_wait3A_34 : memref<128xi32, #tpu.memory_space<hbm>>) dst(%arg9 : memref<128xi32, #tpu.memory_space<vmem>>)
        tpu.yield
      }) : () -> ()
      %dma_start3A = arith.constant 0 : i32
      %dma_start3A_19 = arith.constant 0 : i32
      %dma_start3A_20 = tpu.memref_slice %arg2[%dma_start3A, %dma_start3A_19] : memref<10112x128xf32, #tpu.memory_space<hbm>> -> memref<10112x128xf32, #tpu.memory_space<hbm>>
      tpu.enqueue_indirect_dma source(%dma_start3A_20 : memref<10112x128xf32, #tpu.memory_space<hbm>>) target(%arg10 : memref<128x128xf32, #tpu.memory_space<vmem>>) offsets(%arg8 : memref<128xi32, #tpu.memory_space<vmem>>) semaphore(%arg11 : memref<!tpu.dma_semaphore, #tpu.memory_space<semaphore_mem>>)
      %dma_wait3A = arith.constant 0 : i32
      %dma_wait3A_21 = arith.constant 0 : i32
      %dma_wait3A_22 = tpu.memref_slice %arg2[%dma_wait3A, %dma_wait3A_21] : memref<10112x128xf32, #tpu.memory_space<hbm>> -> memref<10112x128xf32, #tpu.memory_space<hbm>>
      tpu.wait_indirect_dma semaphore(%arg11 : memref<!tpu.dma_semaphore, #tpu.memory_space<semaphore_mem>>) src(%dma_wait3A_22 : memref<10112x128xf32, #tpu.memory_space<hbm>>) dst(%arg10 : memref<128x128xf32, #tpu.memory_space<vmem>>)
      "tpu.region"() ({
        %run_scoped3A = tpu.sem_alloc : memref<!tpu.dma_semaphore, #tpu.memory_space<semaphore_mem>>
        %dma_start3A_23 = arith.constant 0 : i32
        %dma_start3A_24 = arith.constant 0 : i32
        %dma_start3A_25 = tpu.memref_slice %arg7[%dma_start3A_23, %dma_start3A_24] : memref<10112x128xf32, #tpu.memory_space<vmem_shared>> -> memref<10112x128xf32, #tpu.memory_space<vmem_shared>>
        tpu.enqueue_indirect_dma source(%arg10 : memref<128x128xf32, #tpu.memory_space<vmem>>) target(%dma_start3A_25 : memref<10112x128xf32, #tpu.memory_space<vmem_shared>>) offsets(%arg9 : memref<128xi32, #tpu.memory_space<vmem>>) semaphore(%run_scoped3A : memref<!tpu.dma_semaphore, #tpu.memory_space<semaphore_mem>>) {add = true}
        %dma_wait3A_26 = arith.constant 0 : i32
        %dma_wait3A_27 = arith.constant 0 : i32
        %dma_wait3A_28 = tpu.memref_slice %arg7[%dma_wait3A_26, %dma_wait3A_27] : memref<10112x128xf32, #tpu.memory_space<vmem_shared>> -> memref<10112x128xf32, #tpu.memory_space<vmem_shared>>
        tpu.wait_indirect_dma semaphore(%run_scoped3A : memref<!tpu.dma_semaphore, #tpu.memory_space<semaphore_mem>>) src(%arg10 : memref<128x128xf32, #tpu.memory_space<vmem>>) dst(%dma_wait3A_28 : memref<10112x128xf32, #tpu.memory_space<vmem_shared>>)
        tpu.yield
      }) : () -> ()
    }
    %scan3A_6 = arith.constant 79 : i32
    %barrier3A_7 = arith.constant 0 : index
    tpu.barrier barrier_id(%barrier3A_7)
    %mul3A_8 = arith.constant 10112 : i32
    %mul3A_9 = arith.muli %arg0, %mul3A_8 : i32
    %add3A_10 = arith.addi %mul3A_9, %mul3A_2 : i32
    "tpu.region"() ({
      %run_scoped3A = tpu.sem_alloc : memref<!tpu.dma_semaphore, #tpu.memory_space<semaphore_mem>>
      %dma_start3A = arith.constant 0 : i32
      %dma_start3A_11 = tpu.memref_slice %arg6[%add3A_10, %dma_start3A] : memref<20224x128xf32, #tpu.memory_space<hbm>> -> memref<632x128xf32, #tpu.memory_space<hbm>>
      %dma_start3A_12 = arith.constant 0 : i32
      %dma_start3A_13 = tpu.memref_slice %arg7[%mul3A_2, %dma_start3A_12] : memref<10112x128xf32, #tpu.memory_space<vmem_shared>> -> memref<632x128xf32, #tpu.memory_space<vmem_shared>>
      tpu.enqueue_dma source(%dma_start3A_13 : memref<632x128xf32, #tpu.memory_space<vmem_shared>>) target(%dma_start3A_11 : memref<632x128xf32, #tpu.memory_space<hbm>>) target_semaphore(%run_scoped3A : memref<!tpu.dma_semaphore, #tpu.memory_space<semaphore_mem>>)
      %dma_wait3A = arith.constant 0 : i32
      %dma_wait3A_14 = tpu.memref_slice %arg6[%add3A_10, %dma_wait3A] : memref<20224x128xf32, #tpu.memory_space<hbm>> -> memref<632x128xf32, #tpu.memory_space<hbm>>
      %dma_wait3A_15 = arith.constant 0 : i32
      %dma_wait3A_16 = tpu.memref_slice %arg7[%mul3A_2, %dma_wait3A_15] : memref<10112x128xf32, #tpu.memory_space<vmem_shared>> -> memref<632x128xf32, #tpu.memory_space<vmem_shared>>
      tpu.wait_dma2 semaphore(%run_scoped3A : memref<!tpu.dma_semaphore, #tpu.memory_space<semaphore_mem>>) src(%dma_wait3A_16 : memref<632x128xf32, #tpu.memory_space<vmem_shared>>) dst(%dma_wait3A_14 : memref<632x128xf32, #tpu.memory_space<hbm>>)
      tpu.yield
    }) : () -> ()
    return
  }
}

#map = affine_map<(d0, d1) -> (0, 0)>
module attributes {stable_mosaic.version = 14 : i64} {
  func.func @_agg_call(%arg0: i32, %arg1: i32, %arg2: memref<10112x128xf32, #tpu.memory_space<hbm>>, %arg3: memref<2528x128xi32, #tpu.memory_space<hbm>>, %arg4: memref<2528x128xi32, #tpu.memory_space<hbm>>, %arg5: memref<632x128xf32, #tpu.memory_space<hbm>>, %arg6: memref<20224x128xf32, #tpu.memory_space<hbm>>, %arg7: memref<10112x128xf32, #tpu.memory_space<vmem_shared>>, %arg8: memref<128xi32, #tpu.memory_space<vmem>>, %arg9: memref<128xi32, #tpu.memory_space<vmem>>, %arg10: memref<128x128xf32, #tpu.memory_space<vmem>>, %arg11: memref<!tpu.dma_semaphore, #tpu.memory_space<semaphore_mem>>) attributes {dimension_semantics = [#tpu.dimension_semantics<core_parallel>, #tpu.dimension_semantics<subcore_parallel>], iteration_bounds = array<i64: 2, 16>, scalar_prefetch = 0 : i64, scratch_operands = 5 : i64, tpu.core_type = #tpu.core_type<sc_vector_subcore>, window_params = [{transform_indices = #map}, {transform_indices = #map}, {transform_indices = #map}, {transform_indices = #map}, {transform_indices = #map}]} {
    %mul3A = arith.constant 2 : i32
    %mul3A_0 = arith.muli %arg1, %mul3A : i32
    %add3A = arith.addi %mul3A_0, %arg0 : i32
    %mul3A_1 = arith.constant 632 : i32
    %mul3A_2 = arith.muli %arg1, %mul3A_1 : i32
    "tpu.region"() ({
      %run_scoped3A = tpu.sem_alloc : memref<!tpu.dma_semaphore, #tpu.memory_space<semaphore_mem>>
      %dma_start3A = arith.constant 0 : i32
      %dma_start3A_11 = tpu.memref_slice %arg7[%mul3A_2, %dma_start3A] : memref<10112x128xf32, #tpu.memory_space<vmem_shared>> -> memref<632x128xf32, #tpu.memory_space<vmem_shared>>
      tpu.enqueue_dma source(%arg5 : memref<632x128xf32, #tpu.memory_space<hbm>>) target(%dma_start3A_11 : memref<632x128xf32, #tpu.memory_space<vmem_shared>>) target_semaphore(%run_scoped3A : memref<!tpu.dma_semaphore, #tpu.memory_space<semaphore_mem>>)
      %dma_wait3A = arith.constant 0 : i32
      %dma_wait3A_12 = tpu.memref_slice %arg7[%mul3A_2, %dma_wait3A] : memref<10112x128xf32, #tpu.memory_space<vmem_shared>> -> memref<632x128xf32, #tpu.memory_space<vmem_shared>>
      tpu.wait_dma2 semaphore(%run_scoped3A : memref<!tpu.dma_semaphore, #tpu.memory_space<semaphore_mem>>) src(%arg5 : memref<632x128xf32, #tpu.memory_space<hbm>>) dst(%dma_wait3A_12 : memref<632x128xf32, #tpu.memory_space<vmem_shared>>)
      tpu.yield
    }) : () -> ()
    %barrier3A = arith.constant 0 : index
    tpu.barrier barrier_id(%barrier3A)
    %scan3A = arith.constant 0 : i32
    %scan3A_3 = arith.constant 79 : i32
    %scan3A_4 = arith.addi %scan3A, %scan3A_3 : i32
    %scan3A_5 = arith.constant 1 : i32
    scf.for %scan3A_11 = %scan3A to %scan3A_4 step %scan3A_5  : i32 {
      %mul3A_12 = arith.constant 1 : i32
      %mul3A_13 = arith.muli %scan3A_11, %mul3A_12 : i32
      %add3A_14 = arith.constant 0 : i32
      %add3A_15 = arith.addi %add3A_14, %mul3A_13 : i32
      %mul3A_16 = arith.constant 79 : i32
      %mul3A_17 = arith.muli %add3A, %mul3A_16 : i32
      %add3A_18 = arith.addi %mul3A_17, %add3A_15 : i32
      "tpu.region"() ({
        %run_scoped3A = tpu.sem_alloc : memref<!tpu.dma_semaphore, #tpu.memory_space<semaphore_mem>>
        %dma_start3A_23 = arith.constant 0 : i32
        %dma_start3A_24 = tpu.memref_slice %arg3[%add3A_18, %dma_start3A_23] : memref<2528x128xi32, #tpu.memory_space<hbm>> -> memref<1x128xi32, #tpu.memory_space<hbm>>
        %dma_start3A_25 = tpu.memref_squeeze %dma_start3A_24 : memref<1x128xi32, #tpu.memory_space<hbm>> -> memref<128xi32, #tpu.memory_space<hbm>>
        %dma_start3A_26 = arith.constant 0 : i32
        %dma_start3A_27 = tpu.memref_slice %arg3[%add3A_18, %dma_start3A_26] : memref<2528x128xi32, #tpu.memory_space<hbm>> -> memref<1x128xi32, #tpu.memory_space<hbm>>
        %dma_start3A_28 = tpu.memref_squeeze %dma_start3A_27 : memref<1x128xi32, #tpu.memory_space<hbm>> -> memref<128xi32, #tpu.memory_space<hbm>>
        tpu.enqueue_dma source(%dma_start3A_28 : memref<128xi32, #tpu.memory_space<hbm>>) target(%arg8 : memref<128xi32, #tpu.memory_space<vmem>>) target_semaphore(%run_scoped3A : memref<!tpu.dma_semaphore, #tpu.memory_space<semaphore_mem>>)
        %dma_wait3A_29 = arith.constant 0 : i32
        %dma_wait3A_30 = tpu.memref_slice %arg3[%add3A_18, %dma_wait3A_29] : memref<2528x128xi32, #tpu.memory_space<hbm>> -> memref<1x128xi32, #tpu.memory_space<hbm>>
        %dma_wait3A_31 = tpu.memref_squeeze %dma_wait3A_30 : memref<1x128xi32, #tpu.memory_space<hbm>> -> memref<128xi32, #tpu.memory_space<hbm>>
        %dma_wait3A_32 = arith.constant 0 : i32
        %dma_wait3A_33 = tpu.memref_slice %arg3[%add3A_18, %dma_wait3A_32] : memref<2528x128xi32, #tpu.memory_space<hbm>> -> memref<1x128xi32, #tpu.memory_space<hbm>>
        %dma_wait3A_34 = tpu.memref_squeeze %dma_wait3A_33 : memref<1x128xi32, #tpu.memory_space<hbm>> -> memref<128xi32, #tpu.memory_space<hbm>>
        tpu.wait_dma2 semaphore(%run_scoped3A : memref<!tpu.dma_semaphore, #tpu.memory_space<semaphore_mem>>) src(%dma_wait3A_34 : memref<128xi32, #tpu.memory_space<hbm>>) dst(%arg8 : memref<128xi32, #tpu.memory_space<vmem>>)
        tpu.yield
      }) : () -> ()
      "tpu.region"() ({
        %run_scoped3A = tpu.sem_alloc : memref<!tpu.dma_semaphore, #tpu.memory_space<semaphore_mem>>
        %dma_start3A_23 = arith.constant 0 : i32
        %dma_start3A_24 = tpu.memref_slice %arg4[%add3A_18, %dma_start3A_23] : memref<2528x128xi32, #tpu.memory_space<hbm>> -> memref<1x128xi32, #tpu.memory_space<hbm>>
        %dma_start3A_25 = tpu.memref_squeeze %dma_start3A_24 : memref<1x128xi32, #tpu.memory_space<hbm>> -> memref<128xi32, #tpu.memory_space<hbm>>
        %dma_start3A_26 = arith.constant 0 : i32
        %dma_start3A_27 = tpu.memref_slice %arg4[%add3A_18, %dma_start3A_26] : memref<2528x128xi32, #tpu.memory_space<hbm>> -> memref<1x128xi32, #tpu.memory_space<hbm>>
        %dma_start3A_28 = tpu.memref_squeeze %dma_start3A_27 : memref<1x128xi32, #tpu.memory_space<hbm>> -> memref<128xi32, #tpu.memory_space<hbm>>
        tpu.enqueue_dma source(%dma_start3A_28 : memref<128xi32, #tpu.memory_space<hbm>>) target(%arg9 : memref<128xi32, #tpu.memory_space<vmem>>) target_semaphore(%run_scoped3A : memref<!tpu.dma_semaphore, #tpu.memory_space<semaphore_mem>>)
        %dma_wait3A_29 = arith.constant 0 : i32
        %dma_wait3A_30 = tpu.memref_slice %arg4[%add3A_18, %dma_wait3A_29] : memref<2528x128xi32, #tpu.memory_space<hbm>> -> memref<1x128xi32, #tpu.memory_space<hbm>>
        %dma_wait3A_31 = tpu.memref_squeeze %dma_wait3A_30 : memref<1x128xi32, #tpu.memory_space<hbm>> -> memref<128xi32, #tpu.memory_space<hbm>>
        %dma_wait3A_32 = arith.constant 0 : i32
        %dma_wait3A_33 = tpu.memref_slice %arg4[%add3A_18, %dma_wait3A_32] : memref<2528x128xi32, #tpu.memory_space<hbm>> -> memref<1x128xi32, #tpu.memory_space<hbm>>
        %dma_wait3A_34 = tpu.memref_squeeze %dma_wait3A_33 : memref<1x128xi32, #tpu.memory_space<hbm>> -> memref<128xi32, #tpu.memory_space<hbm>>
        tpu.wait_dma2 semaphore(%run_scoped3A : memref<!tpu.dma_semaphore, #tpu.memory_space<semaphore_mem>>) src(%dma_wait3A_34 : memref<128xi32, #tpu.memory_space<hbm>>) dst(%arg9 : memref<128xi32, #tpu.memory_space<vmem>>)
        tpu.yield
      }) : () -> ()
      %dma_start3A = arith.constant 0 : i32
      %dma_start3A_19 = arith.constant 0 : i32
      %dma_start3A_20 = tpu.memref_slice %arg2[%dma_start3A, %dma_start3A_19] : memref<10112x128xf32, #tpu.memory_space<hbm>> -> memref<10112x128xf32, #tpu.memory_space<hbm>>
      tpu.enqueue_indirect_dma source(%dma_start3A_20 : memref<10112x128xf32, #tpu.memory_space<hbm>>) target(%arg10 : memref<128x128xf32, #tpu.memory_space<vmem>>) offsets(%arg8 : memref<128xi32, #tpu.memory_space<vmem>>) semaphore(%arg11 : memref<!tpu.dma_semaphore, #tpu.memory_space<semaphore_mem>>)
      %dma_wait3A = arith.constant 0 : i32
      %dma_wait3A_21 = arith.constant 0 : i32
      %dma_wait3A_22 = tpu.memref_slice %arg2[%dma_wait3A, %dma_wait3A_21] : memref<10112x128xf32, #tpu.memory_space<hbm>> -> memref<10112x128xf32, #tpu.memory_space<hbm>>
      tpu.wait_indirect_dma semaphore(%arg11 : memref<!tpu.dma_semaphore, #tpu.memory_space<semaphore_mem>>) src(%dma_wait3A_22 : memref<10112x128xf32, #tpu.memory_space<hbm>>) dst(%arg10 : memref<128x128xf32, #tpu.memory_space<vmem>>)
      "tpu.region"() ({
        %run_scoped3A = tpu.sem_alloc : memref<!tpu.dma_semaphore, #tpu.memory_space<semaphore_mem>>
        %dma_start3A_23 = arith.constant 0 : i32
        %dma_start3A_24 = arith.constant 0 : i32
        %dma_start3A_25 = tpu.memref_slice %arg7[%dma_start3A_23, %dma_start3A_24] : memref<10112x128xf32, #tpu.memory_space<vmem_shared>> -> memref<10112x128xf32, #tpu.memory_space<vmem_shared>>
        tpu.enqueue_indirect_dma source(%arg10 : memref<128x128xf32, #tpu.memory_space<vmem>>) target(%dma_start3A_25 : memref<10112x128xf32, #tpu.memory_space<vmem_shared>>) offsets(%arg9 : memref<128xi32, #tpu.memory_space<vmem>>) semaphore(%run_scoped3A : memref<!tpu.dma_semaphore, #tpu.memory_space<semaphore_mem>>) {add = true}
        %dma_wait3A_26 = arith.constant 0 : i32
        %dma_wait3A_27 = arith.constant 0 : i32
        %dma_wait3A_28 = tpu.memref_slice %arg7[%dma_wait3A_26, %dma_wait3A_27] : memref<10112x128xf32, #tpu.memory_space<vmem_shared>> -> memref<10112x128xf32, #tpu.memory_space<vmem_shared>>
        tpu.wait_indirect_dma semaphore(%run_scoped3A : memref<!tpu.dma_semaphore, #tpu.memory_space<semaphore_mem>>) src(%arg10 : memref<128x128xf32, #tpu.memory_space<vmem>>) dst(%dma_wait3A_28 : memref<10112x128xf32, #tpu.memory_space<vmem_shared>>)
        tpu.yield
      }) : () -> ()
    }
    %scan3A_6 = arith.constant 79 : i32
    %barrier3A_7 = arith.constant 0 : index
    tpu.barrier barrier_id(%barrier3A_7)
    %mul3A_8 = arith.constant 10112 : i32
    %mul3A_9 = arith.muli %arg0, %mul3A_8 : i32
    %add3A_10 = arith.addi %mul3A_9, %mul3A_2 : i32
    "tpu.region"() ({
      %run_scoped3A = tpu.sem_alloc : memref<!tpu.dma_semaphore, #tpu.memory_space<semaphore_mem>>
      %dma_start3A = arith.constant 0 : i32
      %dma_start3A_11 = tpu.memref_slice %arg6[%add3A_10, %dma_start3A] : memref<20224x128xf32, #tpu.memory_space<hbm>> -> memref<632x128xf32, #tpu.memory_space<hbm>>
      %dma_start3A_12 = arith.constant 0 : i32
      %dma_start3A_13 = tpu.memref_slice %arg7[%mul3A_2, %dma_start3A_12] : memref<10112x128xf32, #tpu.memory_space<vmem_shared>> -> memref<632x128xf32, #tpu.memory_space<vmem_shared>>
      tpu.enqueue_dma source(%dma_start3A_13 : memref<632x128xf32, #tpu.memory_space<vmem_shared>>) target(%dma_start3A_11 : memref<632x128xf32, #tpu.memory_space<hbm>>) target_semaphore(%run_scoped3A : memref<!tpu.dma_semaphore, #tpu.memory_space<semaphore_mem>>)
      %dma_wait3A = arith.constant 0 : i32
      %dma_wait3A_14 = tpu.memref_slice %arg6[%add3A_10, %dma_wait3A] : memref<20224x128xf32, #tpu.memory_space<hbm>> -> memref<632x128xf32, #tpu.memory_space<hbm>>
      %dma_wait3A_15 = arith.constant 0 : i32
      %dma_wait3A_16 = tpu.memref_slice %arg7[%mul3A_2, %dma_wait3A_15] : memref<10112x128xf32, #tpu.memory_space<vmem_shared>> -> memref<632x128xf32, #tpu.memory_space<vmem_shared>>
      tpu.wait_dma2 semaphore(%run_scoped3A : memref<!tpu.dma_semaphore, #tpu.memory_space<semaphore_mem>>) src(%dma_wait3A_16 : memref<632x128xf32, #tpu.memory_space<vmem_shared>>) dst(%dma_wait3A_14 : memref<632x128xf32, #tpu.memory_space<hbm>>)
      tpu.yield
    }) : () -> ()
    return
  }
}

#map = affine_map<(d0, d1) -> (0, 0)>
module attributes {stable_mosaic.version = 14 : i64} {
  func.func @_agg_call(%arg0: i32, %arg1: i32, %arg2: memref<10112x128xf32, #tpu.memory_space<hbm>>, %arg3: memref<2528x128xi32, #tpu.memory_space<hbm>>, %arg4: memref<2528x128xi32, #tpu.memory_space<hbm>>, %arg5: memref<632x128xf32, #tpu.memory_space<hbm>>, %arg6: memref<20224x128xf32, #tpu.memory_space<hbm>>, %arg7: memref<10112x128xf32, #tpu.memory_space<vmem_shared>>, %arg8: memref<128xi32, #tpu.memory_space<vmem>>, %arg9: memref<128xi32, #tpu.memory_space<vmem>>, %arg10: memref<128x128xf32, #tpu.memory_space<vmem>>, %arg11: memref<!tpu.dma_semaphore, #tpu.memory_space<semaphore_mem>>) attributes {dimension_semantics = [#tpu.dimension_semantics<core_parallel>, #tpu.dimension_semantics<subcore_parallel>], iteration_bounds = array<i64: 2, 16>, scalar_prefetch = 0 : i64, scratch_operands = 5 : i64, tpu.core_type = #tpu.core_type<sc_vector_subcore>, window_params = [{transform_indices = #map}, {transform_indices = #map}, {transform_indices = #map}, {transform_indices = #map}, {transform_indices = #map}]} {
    %mul3A = arith.constant 2 : i32
    %mul3A_0 = arith.muli %arg1, %mul3A : i32
    %add3A = arith.addi %mul3A_0, %arg0 : i32
    %mul3A_1 = arith.constant 632 : i32
    %mul3A_2 = arith.muli %arg1, %mul3A_1 : i32
    "tpu.region"() ({
      %run_scoped3A = tpu.sem_alloc : memref<!tpu.dma_semaphore, #tpu.memory_space<semaphore_mem>>
      %dma_start3A = arith.constant 0 : i32
      %dma_start3A_11 = tpu.memref_slice %arg7[%mul3A_2, %dma_start3A] : memref<10112x128xf32, #tpu.memory_space<vmem_shared>> -> memref<632x128xf32, #tpu.memory_space<vmem_shared>>
      tpu.enqueue_dma source(%arg5 : memref<632x128xf32, #tpu.memory_space<hbm>>) target(%dma_start3A_11 : memref<632x128xf32, #tpu.memory_space<vmem_shared>>) target_semaphore(%run_scoped3A : memref<!tpu.dma_semaphore, #tpu.memory_space<semaphore_mem>>)
      %dma_wait3A = arith.constant 0 : i32
      %dma_wait3A_12 = tpu.memref_slice %arg7[%mul3A_2, %dma_wait3A] : memref<10112x128xf32, #tpu.memory_space<vmem_shared>> -> memref<632x128xf32, #tpu.memory_space<vmem_shared>>
      tpu.wait_dma2 semaphore(%run_scoped3A : memref<!tpu.dma_semaphore, #tpu.memory_space<semaphore_mem>>) src(%arg5 : memref<632x128xf32, #tpu.memory_space<hbm>>) dst(%dma_wait3A_12 : memref<632x128xf32, #tpu.memory_space<vmem_shared>>)
      tpu.yield
    }) : () -> ()
    %barrier3A = arith.constant 0 : index
    tpu.barrier barrier_id(%barrier3A)
    %scan3A = arith.constant 0 : i32
    %scan3A_3 = arith.constant 79 : i32
    %scan3A_4 = arith.addi %scan3A, %scan3A_3 : i32
    %scan3A_5 = arith.constant 1 : i32
    scf.for %scan3A_11 = %scan3A to %scan3A_4 step %scan3A_5  : i32 {
      %mul3A_12 = arith.constant 1 : i32
      %mul3A_13 = arith.muli %scan3A_11, %mul3A_12 : i32
      %add3A_14 = arith.constant 0 : i32
      %add3A_15 = arith.addi %add3A_14, %mul3A_13 : i32
      %mul3A_16 = arith.constant 79 : i32
      %mul3A_17 = arith.muli %add3A, %mul3A_16 : i32
      %add3A_18 = arith.addi %mul3A_17, %add3A_15 : i32
      "tpu.region"() ({
        %run_scoped3A = tpu.sem_alloc : memref<!tpu.dma_semaphore, #tpu.memory_space<semaphore_mem>>
        %dma_start3A_23 = arith.constant 0 : i32
        %dma_start3A_24 = tpu.memref_slice %arg3[%add3A_18, %dma_start3A_23] : memref<2528x128xi32, #tpu.memory_space<hbm>> -> memref<1x128xi32, #tpu.memory_space<hbm>>
        %dma_start3A_25 = tpu.memref_squeeze %dma_start3A_24 : memref<1x128xi32, #tpu.memory_space<hbm>> -> memref<128xi32, #tpu.memory_space<hbm>>
        %dma_start3A_26 = arith.constant 0 : i32
        %dma_start3A_27 = tpu.memref_slice %arg3[%add3A_18, %dma_start3A_26] : memref<2528x128xi32, #tpu.memory_space<hbm>> -> memref<1x128xi32, #tpu.memory_space<hbm>>
        %dma_start3A_28 = tpu.memref_squeeze %dma_start3A_27 : memref<1x128xi32, #tpu.memory_space<hbm>> -> memref<128xi32, #tpu.memory_space<hbm>>
        tpu.enqueue_dma source(%dma_start3A_28 : memref<128xi32, #tpu.memory_space<hbm>>) target(%arg8 : memref<128xi32, #tpu.memory_space<vmem>>) target_semaphore(%run_scoped3A : memref<!tpu.dma_semaphore, #tpu.memory_space<semaphore_mem>>)
        %dma_wait3A_29 = arith.constant 0 : i32
        %dma_wait3A_30 = tpu.memref_slice %arg3[%add3A_18, %dma_wait3A_29] : memref<2528x128xi32, #tpu.memory_space<hbm>> -> memref<1x128xi32, #tpu.memory_space<hbm>>
        %dma_wait3A_31 = tpu.memref_squeeze %dma_wait3A_30 : memref<1x128xi32, #tpu.memory_space<hbm>> -> memref<128xi32, #tpu.memory_space<hbm>>
        %dma_wait3A_32 = arith.constant 0 : i32
        %dma_wait3A_33 = tpu.memref_slice %arg3[%add3A_18, %dma_wait3A_32] : memref<2528x128xi32, #tpu.memory_space<hbm>> -> memref<1x128xi32, #tpu.memory_space<hbm>>
        %dma_wait3A_34 = tpu.memref_squeeze %dma_wait3A_33 : memref<1x128xi32, #tpu.memory_space<hbm>> -> memref<128xi32, #tpu.memory_space<hbm>>
        tpu.wait_dma2 semaphore(%run_scoped3A : memref<!tpu.dma_semaphore, #tpu.memory_space<semaphore_mem>>) src(%dma_wait3A_34 : memref<128xi32, #tpu.memory_space<hbm>>) dst(%arg8 : memref<128xi32, #tpu.memory_space<vmem>>)
        tpu.yield
      }) : () -> ()
      "tpu.region"() ({
        %run_scoped3A = tpu.sem_alloc : memref<!tpu.dma_semaphore, #tpu.memory_space<semaphore_mem>>
        %dma_start3A_23 = arith.constant 0 : i32
        %dma_start3A_24 = tpu.memref_slice %arg4[%add3A_18, %dma_start3A_23] : memref<2528x128xi32, #tpu.memory_space<hbm>> -> memref<1x128xi32, #tpu.memory_space<hbm>>
        %dma_start3A_25 = tpu.memref_squeeze %dma_start3A_24 : memref<1x128xi32, #tpu.memory_space<hbm>> -> memref<128xi32, #tpu.memory_space<hbm>>
        %dma_start3A_26 = arith.constant 0 : i32
        %dma_start3A_27 = tpu.memref_slice %arg4[%add3A_18, %dma_start3A_26] : memref<2528x128xi32, #tpu.memory_space<hbm>> -> memref<1x128xi32, #tpu.memory_space<hbm>>
        %dma_start3A_28 = tpu.memref_squeeze %dma_start3A_27 : memref<1x128xi32, #tpu.memory_space<hbm>> -> memref<128xi32, #tpu.memory_space<hbm>>
        tpu.enqueue_dma source(%dma_start3A_28 : memref<128xi32, #tpu.memory_space<hbm>>) target(%arg9 : memref<128xi32, #tpu.memory_space<vmem>>) target_semaphore(%run_scoped3A : memref<!tpu.dma_semaphore, #tpu.memory_space<semaphore_mem>>)
        %dma_wait3A_29 = arith.constant 0 : i32
        %dma_wait3A_30 = tpu.memref_slice %arg4[%add3A_18, %dma_wait3A_29] : memref<2528x128xi32, #tpu.memory_space<hbm>> -> memref<1x128xi32, #tpu.memory_space<hbm>>
        %dma_wait3A_31 = tpu.memref_squeeze %dma_wait3A_30 : memref<1x128xi32, #tpu.memory_space<hbm>> -> memref<128xi32, #tpu.memory_space<hbm>>
        %dma_wait3A_32 = arith.constant 0 : i32
        %dma_wait3A_33 = tpu.memref_slice %arg4[%add3A_18, %dma_wait3A_32] : memref<2528x128xi32, #tpu.memory_space<hbm>> -> memref<1x128xi32, #tpu.memory_space<hbm>>
        %dma_wait3A_34 = tpu.memref_squeeze %dma_wait3A_33 : memref<1x128xi32, #tpu.memory_space<hbm>> -> memref<128xi32, #tpu.memory_space<hbm>>
        tpu.wait_dma2 semaphore(%run_scoped3A : memref<!tpu.dma_semaphore, #tpu.memory_space<semaphore_mem>>) src(%dma_wait3A_34 : memref<128xi32, #tpu.memory_space<hbm>>) dst(%arg9 : memref<128xi32, #tpu.memory_space<vmem>>)
        tpu.yield
      }) : () -> ()
      %dma_start3A = arith.constant 0 : i32
      %dma_start3A_19 = arith.constant 0 : i32
      %dma_start3A_20 = tpu.memref_slice %arg2[%dma_start3A, %dma_start3A_19] : memref<10112x128xf32, #tpu.memory_space<hbm>> -> memref<10112x128xf32, #tpu.memory_space<hbm>>
      tpu.enqueue_indirect_dma source(%dma_start3A_20 : memref<10112x128xf32, #tpu.memory_space<hbm>>) target(%arg10 : memref<128x128xf32, #tpu.memory_space<vmem>>) offsets(%arg8 : memref<128xi32, #tpu.memory_space<vmem>>) semaphore(%arg11 : memref<!tpu.dma_semaphore, #tpu.memory_space<semaphore_mem>>)
      %dma_wait3A = arith.constant 0 : i32
      %dma_wait3A_21 = arith.constant 0 : i32
      %dma_wait3A_22 = tpu.memref_slice %arg2[%dma_wait3A, %dma_wait3A_21] : memref<10112x128xf32, #tpu.memory_space<hbm>> -> memref<10112x128xf32, #tpu.memory_space<hbm>>
      tpu.wait_indirect_dma semaphore(%arg11 : memref<!tpu.dma_semaphore, #tpu.memory_space<semaphore_mem>>) src(%dma_wait3A_22 : memref<10112x128xf32, #tpu.memory_space<hbm>>) dst(%arg10 : memref<128x128xf32, #tpu.memory_space<vmem>>)
      "tpu.region"() ({
        %run_scoped3A = tpu.sem_alloc : memref<!tpu.dma_semaphore, #tpu.memory_space<semaphore_mem>>
        %dma_start3A_23 = arith.constant 0 : i32
        %dma_start3A_24 = arith.constant 0 : i32
        %dma_start3A_25 = tpu.memref_slice %arg7[%dma_start3A_23, %dma_start3A_24] : memref<10112x128xf32, #tpu.memory_space<vmem_shared>> -> memref<10112x128xf32, #tpu.memory_space<vmem_shared>>
        tpu.enqueue_indirect_dma source(%arg10 : memref<128x128xf32, #tpu.memory_space<vmem>>) target(%dma_start3A_25 : memref<10112x128xf32, #tpu.memory_space<vmem_shared>>) offsets(%arg9 : memref<128xi32, #tpu.memory_space<vmem>>) semaphore(%run_scoped3A : memref<!tpu.dma_semaphore, #tpu.memory_space<semaphore_mem>>) {add = true}
        %dma_wait3A_26 = arith.constant 0 : i32
        %dma_wait3A_27 = arith.constant 0 : i32
        %dma_wait3A_28 = tpu.memref_slice %arg7[%dma_wait3A_26, %dma_wait3A_27] : memref<10112x128xf32, #tpu.memory_space<vmem_shared>> -> memref<10112x128xf32, #tpu.memory_space<vmem_shared>>
        tpu.wait_indirect_dma semaphore(%run_scoped3A : memref<!tpu.dma_semaphore, #tpu.memory_space<semaphore_mem>>) src(%arg10 : memref<128x128xf32, #tpu.memory_space<vmem>>) dst(%dma_wait3A_28 : memref<10112x128xf32, #tpu.memory_space<vmem_shared>>)
        tpu.yield
      }) : () -> ()
    }
    %scan3A_6 = arith.constant 79 : i32
    %barrier3A_7 = arith.constant 0 : index
    tpu.barrier barrier_id(%barrier3A_7)
    %mul3A_8 = arith.constant 10112 : i32
    %mul3A_9 = arith.muli %arg0, %mul3A_8 : i32
    %add3A_10 = arith.addi %mul3A_9, %mul3A_2 : i32
    "tpu.region"() ({
      %run_scoped3A = tpu.sem_alloc : memref<!tpu.dma_semaphore, #tpu.memory_space<semaphore_mem>>
      %dma_start3A = arith.constant 0 : i32
      %dma_start3A_11 = tpu.memref_slice %arg6[%add3A_10, %dma_start3A] : memref<20224x128xf32, #tpu.memory_space<hbm>> -> memref<632x128xf32, #tpu.memory_space<hbm>>
      %dma_start3A_12 = arith.constant 0 : i32
      %dma_start3A_13 = tpu.memref_slice %arg7[%mul3A_2, %dma_start3A_12] : memref<10112x128xf32, #tpu.memory_space<vmem_shared>> -> memref<632x128xf32, #tpu.memory_space<vmem_shared>>
      tpu.enqueue_dma source(%dma_start3A_13 : memref<632x128xf32, #tpu.memory_space<vmem_shared>>) target(%dma_start3A_11 : memref<632x128xf32, #tpu.memory_space<hbm>>) target_semaphore(%run_scoped3A : memref<!tpu.dma_semaphore, #tpu.memory_space<semaphore_mem>>)
      %dma_wait3A = arith.constant 0 : i32
      %dma_wait3A_14 = tpu.memref_slice %arg6[%add3A_10, %dma_wait3A] : memref<20224x128xf32, #tpu.memory_space<hbm>> -> memref<632x128xf32, #tpu.memory_space<hbm>>
      %dma_wait3A_15 = arith.constant 0 : i32
      %dma_wait3A_16 = tpu.memref_slice %arg7[%mul3A_2, %dma_wait3A_15] : memref<10112x128xf32, #tpu.memory_space<vmem_shared>> -> memref<632x128xf32, #tpu.memory_space<vmem_shared>>
      tpu.wait_dma2 semaphore(%run_scoped3A : memref<!tpu.dma_semaphore, #tpu.memory_space<semaphore_mem>>) src(%dma_wait3A_16 : memref<632x128xf32, #tpu.memory_space<vmem_shared>>) dst(%dma_wait3A_14 : memref<632x128xf32, #tpu.memory_space<hbm>>)
      tpu.yield
    }) : () -> ()
    return
  }
}

module attributes {stable_mosaic.version = 14 : i64} {
  func.func @_norm_body(%arg0: i32, %arg1: memref<2544x16xf32, #tpu.memory_space<vmem>>, %arg2: memref<2544x16xf32, #tpu.memory_space<vmem>>, %arg3: memref<2544x128xf32, #tpu.memory_space<vmem>>) attributes {dimension_semantics = [#tpu.dimension_semantics<arbitrary>], iteration_bounds = array<i64: 8>, scalar_prefetch = 0 : i64, scratch_operands = 0 : i64, tpu.core_type = #tpu.core_type<tc>, window_params = [{transform_indices = @transform_0, window_bounds = array<i64: 2544, 16>}, {transform_indices = @transform_1, window_bounds = array<i64: 2544, 16>}, {transform_indices = @transform_2, window_bounds = array<i64: 2544, 128>}]} {
    %get3A = arith.constant 0 : index
    %get3A_0 = arith.constant 0 : index
    %get3A_1 = vector.load %arg1[%get3A, %get3A_0] : memref<2544x16xf32, #tpu.memory_space<vmem>>, vector<2544x16xf32>
    %get3A_2 = arith.constant 0 : index
    %get3A_3 = arith.constant 0 : index
    %get3A_4 = vector.load %arg2[%get3A_2, %get3A_3] : memref<2544x16xf32, #tpu.memory_space<vmem>>, vector<2544x16xf32>
    %add3A = arith.addf %get3A_1, %get3A_4 : vector<2544x16xf32>
    %slice3A = vector.extract_strided_slice %add3A {offsets = [0, 0], sizes = [2544, 1], strides = [1, 1]} : vector<2544x16xf32> to vector<2544x1xf32>
    %max3A = arith.constant 1.000000e+00 : f32
    %max3A_5 = vector.broadcast %max3A : f32 to vector<2544x1xf32>
    %max3A_6 = arith.maximumf %slice3A, %max3A_5 : vector<2544x1xf32>
    %rsqrt3A = math.rsqrt %max3A_6 : vector<2544x1xf32>
    %broadcast_in_dim3A = vector.shape_cast %rsqrt3A : vector<2544x1xf32> to vector<2544x1xf32>
    %broadcast_in_dim3A_7 = vector.broadcast %broadcast_in_dim3A : vector<2544x1xf32> to vector<2544x128xf32>
    %swap3A = arith.constant 0 : index
    %swap3A_8 = arith.constant 0 : index
    %swap3A_9 = vector.load %arg3[%swap3A, %swap3A_8] : memref<2544x128xf32, #tpu.memory_space<vmem>>, vector<2544x128xf32>
    tpu.vector_store %arg3[%swap3A, %swap3A_8], %broadcast_in_dim3A_7 {strides = array<i32>} : memref<2544x128xf32, #tpu.memory_space<vmem>>, vector<2544x128xf32>,
    return
  }
  func.func @transform_0(%arg0: i32) -> (i32, i32) {
    %c0_i32 = arith.constant 0 : i32
    %c0_i32_0 = arith.constant 0 : i32
    return %arg0, %c0_i32 : i32, i32
  }
  func.func @transform_1(%arg0: i32) -> (i32, i32) {
    %c0_i32 = arith.constant 0 : i32
    %c0_i32_0 = arith.constant 0 : i32
    return %arg0, %c0_i32 : i32, i32
  }
  func.func @transform_2(%arg0: i32) -> (i32, i32) {
    %c0_i32 = arith.constant 0 : i32
    %c0_i32_0 = arith.constant 0 : i32
    return %arg0, %c0_i32 : i32, i32
  }
}

module attributes {stable_mosaic.version = 14 : i64} {
  func.func @_scale_body(%arg0: i32, %arg1: memref<1264x128xf32, #tpu.memory_space<vmem>>, %arg2: memref<1264x128xf32, #tpu.memory_space<vmem>>, %arg3: memref<1264x128xf32, #tpu.memory_space<vmem>>) attributes {dimension_semantics = [#tpu.dimension_semantics<arbitrary>], iteration_bounds = array<i64: 8>, scalar_prefetch = 0 : i64, scratch_operands = 0 : i64, tpu.core_type = #tpu.core_type<tc>, window_params = [{transform_indices = @transform_0, window_bounds = array<i64: 1264, 128>}, {transform_indices = @transform_1, window_bounds = array<i64: 1264, 128>}, {transform_indices = @transform_2, window_bounds = array<i64: 1264, 128>}]} {
    %get3A = arith.constant 0 : index
    %get3A_0 = arith.constant 0 : index
    %get3A_1 = vector.load %arg1[%get3A, %get3A_0] : memref<1264x128xf32, #tpu.memory_space<vmem>>, vector<1264x128xf32>
    %get3A_2 = arith.constant 0 : index
    %get3A_3 = arith.constant 0 : index
    %get3A_4 = vector.load %arg2[%get3A_2, %get3A_3] : memref<1264x128xf32, #tpu.memory_space<vmem>>, vector<1264x128xf32>
    %mul3A = arith.mulf %get3A_1, %get3A_4 : vector<1264x128xf32>
    %swap3A = arith.constant 0 : index
    %swap3A_5 = arith.constant 0 : index
    %swap3A_6 = vector.load %arg3[%swap3A, %swap3A_5] : memref<1264x128xf32, #tpu.memory_space<vmem>>, vector<1264x128xf32>
    tpu.vector_store %arg3[%swap3A, %swap3A_5], %mul3A {strides = array<i32>} : memref<1264x128xf32, #tpu.memory_space<vmem>>, vector<1264x128xf32>,
    return
  }
  func.func @transform_0(%arg0: i32) -> (i32, i32) {
    %c0_i32 = arith.constant 0 : i32
    %c0_i32_0 = arith.constant 0 : i32
    return %arg0, %c0_i32 : i32, i32
  }
  func.func @transform_1(%arg0: i32) -> (i32, i32) {
    %c0_i32 = arith.constant 0 : i32
    %c0_i32_0 = arith.constant 0 : i32
    return %arg0, %c0_i32 : i32, i32
  }
  func.func @transform_2(%arg0: i32) -> (i32, i32) {
    %c0_i32 = arith.constant 0 : i32
    %c0_i32_0 = arith.constant 0 : i32
    return %arg0, %c0_i32 : i32, i32
  }
}

module attributes {stable_mosaic.version = 14 : i64} {
  func.func @_layer_body(%arg0: i32, %arg1: memref<1264x128xf32, #tpu.memory_space<vmem>>, %arg2: memref<1264x128xf32, #tpu.memory_space<vmem>>, %arg3: memref<1264x128xf32, #tpu.memory_space<vmem>>, %arg4: memref<1264x128xf32, #tpu.memory_space<vmem>>, %arg5: memref<128x128xf32, #tpu.memory_space<vmem>>, %arg6: memref<8x128xf32, #tpu.memory_space<vmem>>, %arg7: memref<1264x128xf32, #tpu.memory_space<vmem>>, %arg8: memref<1264x128xf32, #tpu.memory_space<vmem>>) attributes {dimension_semantics = [#tpu.dimension_semantics<arbitrary>], iteration_bounds = array<i64: 8>, scalar_prefetch = 0 : i64, scratch_operands = 0 : i64, tpu.core_type = #tpu.core_type<tc>, window_params = [{transform_indices = @transform_0, window_bounds = array<i64: 1264, 128>}, {transform_indices = @transform_1, window_bounds = array<i64: 1264, 128>}, {transform_indices = @transform_2, window_bounds = array<i64: 1264, 128>}, {transform_indices = @transform_3, window_bounds = array<i64: 1264, 128>}, {pipeline_mode = #tpu.pipeline_mode<synchronous>, transform_indices = @transform_4, window_bounds = array<i64: 128, 128>}, {pipeline_mode = #tpu.pipeline_mode<synchronous>, transform_indices = @transform_5, window_bounds = array<i64: 8, 128>}, {transform_indices = @transform_6, window_bounds = array<i64: 1264, 128>}, {transform_indices = @transform_7, window_bounds = array<i64: 1264, 128>}]} {
    %get3A = arith.constant 0 : index
    %get3A_0 = arith.constant 0 : index
    %get3A_1 = vector.load %arg1[%get3A, %get3A_0] : memref<1264x128xf32, #tpu.memory_space<vmem>>, vector<1264x128xf32>
    %get3A_2 = arith.constant 0 : index
    %get3A_3 = arith.constant 0 : index
    %get3A_4 = vector.load %arg2[%get3A_2, %get3A_3] : memref<1264x128xf32, #tpu.memory_space<vmem>>, vector<1264x128xf32>
    %add3A = arith.addf %get3A_1, %get3A_4 : vector<1264x128xf32>
    %get3A_5 = arith.constant 0 : index
    %get3A_6 = arith.constant 0 : index
    %get3A_7 = vector.load %arg3[%get3A_5, %get3A_6] : memref<1264x128xf32, #tpu.memory_space<vmem>>, vector<1264x128xf32>
    %mul3A = arith.mulf %add3A, %get3A_7 : vector<1264x128xf32>
    %get3A_8 = arith.constant 0 : index
    %get3A_9 = arith.constant 0 : index
    %get3A_10 = vector.load %arg5[%get3A_8, %get3A_9] : memref<128x128xf32, #tpu.memory_space<vmem>>, vector<128x128xf32>
    %dot_general3A = arith.constant dense<0.000000e+00> : vector<1264x128xf32>
    %dot_general3A_11 = tpu.matmul %mul3A, %get3A_10, %dot_general3A {dimension_numbers = #tpu.dot_dimension_numbers<[1], [0], [0], [1], [0, 0, 1, 1], [], []>, transpose_lhs_hint = false} : vector<1264x128xf32>, vector<128x128xf32>, vector<1264x128xf32> -> vector<1264x128xf32>
    %get3A_12 = arith.constant 0 : index
    %get3A_13 = arith.constant 0 : index
    %get3A_14 = vector.load %arg6[%get3A_12, %get3A_13] : memref<8x128xf32, #tpu.memory_space<vmem>>, vector<1x128xf32>
    %add3A_15 = vector.broadcast %get3A_14 : vector<1x128xf32> to vector<1264x128xf32>
    %add3A_16 = arith.addf %dot_general3A_11, %add3A_15 : vector<1264x128xf32>
    %max3A = arith.constant 0.000000e+00 : f32
    %max3A_17 = vector.broadcast %max3A : f32 to vector<1264x128xf32>
    %max3A_18 = arith.maximumf %add3A_16, %max3A_17 : vector<1264x128xf32>
    %swap3A = arith.constant 0 : index
    %swap3A_19 = arith.constant 0 : index
    %swap3A_20 = vector.load %arg7[%swap3A, %swap3A_19] : memref<1264x128xf32, #tpu.memory_space<vmem>>, vector<1264x128xf32>
    tpu.vector_store %arg7[%swap3A, %swap3A_19], %max3A_18 {strides = array<i32>} : memref<1264x128xf32, #tpu.memory_space<vmem>>, vector<1264x128xf32>,
    %get3A_21 = arith.constant 0 : index
    %get3A_22 = arith.constant 0 : index
    %get3A_23 = vector.load %arg4[%get3A_21, %get3A_22] : memref<1264x128xf32, #tpu.memory_space<vmem>>, vector<1264x128xf32>
    %mul3A_24 = arith.mulf %max3A_18, %get3A_23 : vector<1264x128xf32>
    %swap3A_25 = arith.constant 0 : index
    %swap3A_26 = arith.constant 0 : index
    %swap3A_27 = vector.load %arg8[%swap3A_25, %swap3A_26] : memref<1264x128xf32, #tpu.memory_space<vmem>>, vector<1264x128xf32>
    tpu.vector_store %arg8[%swap3A_25, %swap3A_26], %mul3A_24 {strides = array<i32>} : memref<1264x128xf32, #tpu.memory_space<vmem>>, vector<1264x128xf32>,
    return
  }
  func.func @transform_0(%arg0: i32) -> (i32, i32) {
    %c0_i32 = arith.constant 0 : i32
    %c0_i32_0 = arith.constant 0 : i32
    return %arg0, %c0_i32 : i32, i32
  }
  func.func @transform_1(%arg0: i32) -> (i32, i32) {
    %c0_i32 = arith.constant 0 : i32
    %c0_i32_0 = arith.constant 0 : i32
    return %arg0, %c0_i32 : i32, i32
  }
  func.func @transform_2(%arg0: i32) -> (i32, i32) {
    %c0_i32 = arith.constant 0 : i32
    %c0_i32_0 = arith.constant 0 : i32
    return %arg0, %c0_i32 : i32, i32
  }
  func.func @transform_3(%arg0: i32) -> (i32, i32) {
    %c0_i32 = arith.constant 0 : i32
    %c0_i32_0 = arith.constant 0 : i32
    return %arg0, %c0_i32 : i32, i32
  }
  func.func @transform_4(%arg0: i32) -> (i32, i32) {
    %c0_i32 = arith.constant 0 : i32
    %c0_i32_0 = arith.constant 0 : i32
    %c0_i32_1 = arith.constant 0 : i32
    return %c0_i32, %c0_i32_0 : i32, i32
  }
  func.func @transform_5(%arg0: i32) -> (i32, i32) {
    %c0_i32 = arith.constant 0 : i32
    %c0_i32_0 = arith.constant 0 : i32
    %c0_i32_1 = arith.constant 0 : i32
    return %c0_i32, %c0_i32_0 : i32, i32
  }
  func.func @transform_6(%arg0: i32) -> (i32, i32) {
    %c0_i32 = arith.constant 0 : i32
    %c0_i32_0 = arith.constant 0 : i32
    return %arg0, %c0_i32 : i32, i32
  }
  func.func @transform_7(%arg0: i32) -> (i32, i32) {
    %c0_i32 = arith.constant 0 : i32
    %c0_i32_0 = arith.constant 0 : i32
    return %arg0, %c0_i32 : i32, i32
  }
}

module attributes {stable_mosaic.version = 14 : i64} {
  func.func @_layer_body(%arg0: i32, %arg1: memref<1264x128xf32, #tpu.memory_space<vmem>>, %arg2: memref<1264x128xf32, #tpu.memory_space<vmem>>, %arg3: memref<1264x128xf32, #tpu.memory_space<vmem>>, %arg4: memref<1264x128xf32, #tpu.memory_space<vmem>>, %arg5: memref<128x128xf32, #tpu.memory_space<vmem>>, %arg6: memref<8x128xf32, #tpu.memory_space<vmem>>, %arg7: memref<1264x128xf32, #tpu.memory_space<vmem>>, %arg8: memref<1264x128xf32, #tpu.memory_space<vmem>>) attributes {dimension_semantics = [#tpu.dimension_semantics<arbitrary>], iteration_bounds = array<i64: 8>, scalar_prefetch = 0 : i64, scratch_operands = 0 : i64, tpu.core_type = #tpu.core_type<tc>, window_params = [{transform_indices = @transform_0, window_bounds = array<i64: 1264, 128>}, {transform_indices = @transform_1, window_bounds = array<i64: 1264, 128>}, {transform_indices = @transform_2, window_bounds = array<i64: 1264, 128>}, {transform_indices = @transform_3, window_bounds = array<i64: 1264, 128>}, {pipeline_mode = #tpu.pipeline_mode<synchronous>, transform_indices = @transform_4, window_bounds = array<i64: 128, 128>}, {pipeline_mode = #tpu.pipeline_mode<synchronous>, transform_indices = @transform_5, window_bounds = array<i64: 8, 128>}, {transform_indices = @transform_6, window_bounds = array<i64: 1264, 128>}, {transform_indices = @transform_7, window_bounds = array<i64: 1264, 128>}]} {
    %get3A = arith.constant 0 : index
    %get3A_0 = arith.constant 0 : index
    %get3A_1 = vector.load %arg1[%get3A, %get3A_0] : memref<1264x128xf32, #tpu.memory_space<vmem>>, vector<1264x128xf32>
    %get3A_2 = arith.constant 0 : index
    %get3A_3 = arith.constant 0 : index
    %get3A_4 = vector.load %arg2[%get3A_2, %get3A_3] : memref<1264x128xf32, #tpu.memory_space<vmem>>, vector<1264x128xf32>
    %add3A = arith.addf %get3A_1, %get3A_4 : vector<1264x128xf32>
    %get3A_5 = arith.constant 0 : index
    %get3A_6 = arith.constant 0 : index
    %get3A_7 = vector.load %arg3[%get3A_5, %get3A_6] : memref<1264x128xf32, #tpu.memory_space<vmem>>, vector<1264x128xf32>
    %mul3A = arith.mulf %add3A, %get3A_7 : vector<1264x128xf32>
    %get3A_8 = arith.constant 0 : index
    %get3A_9 = arith.constant 0 : index
    %get3A_10 = vector.load %arg5[%get3A_8, %get3A_9] : memref<128x128xf32, #tpu.memory_space<vmem>>, vector<128x128xf32>
    %dot_general3A = arith.constant dense<0.000000e+00> : vector<1264x128xf32>
    %dot_general3A_11 = tpu.matmul %mul3A, %get3A_10, %dot_general3A {dimension_numbers = #tpu.dot_dimension_numbers<[1], [0], [0], [1], [0, 0, 1, 1], [], []>, transpose_lhs_hint = false} : vector<1264x128xf32>, vector<128x128xf32>, vector<1264x128xf32> -> vector<1264x128xf32>
    %get3A_12 = arith.constant 0 : index
    %get3A_13 = arith.constant 0 : index
    %get3A_14 = vector.load %arg6[%get3A_12, %get3A_13] : memref<8x128xf32, #tpu.memory_space<vmem>>, vector<1x128xf32>
    %add3A_15 = vector.broadcast %get3A_14 : vector<1x128xf32> to vector<1264x128xf32>
    %add3A_16 = arith.addf %dot_general3A_11, %add3A_15 : vector<1264x128xf32>
    %max3A = arith.constant 0.000000e+00 : f32
    %max3A_17 = vector.broadcast %max3A : f32 to vector<1264x128xf32>
    %max3A_18 = arith.maximumf %add3A_16, %max3A_17 : vector<1264x128xf32>
    %swap3A = arith.constant 0 : index
    %swap3A_19 = arith.constant 0 : index
    %swap3A_20 = vector.load %arg7[%swap3A, %swap3A_19] : memref<1264x128xf32, #tpu.memory_space<vmem>>, vector<1264x128xf32>
    tpu.vector_store %arg7[%swap3A, %swap3A_19], %max3A_18 {strides = array<i32>} : memref<1264x128xf32, #tpu.memory_space<vmem>>, vector<1264x128xf32>,
    %get3A_21 = arith.constant 0 : index
    %get3A_22 = arith.constant 0 : index
    %get3A_23 = vector.load %arg4[%get3A_21, %get3A_22] : memref<1264x128xf32, #tpu.memory_space<vmem>>, vector<1264x128xf32>
    %mul3A_24 = arith.mulf %max3A_18, %get3A_23 : vector<1264x128xf32>
    %swap3A_25 = arith.constant 0 : index
    %swap3A_26 = arith.constant 0 : index
    %swap3A_27 = vector.load %arg8[%swap3A_25, %swap3A_26] : memref<1264x128xf32, #tpu.memory_space<vmem>>, vector<1264x128xf32>
    tpu.vector_store %arg8[%swap3A_25, %swap3A_26], %mul3A_24 {strides = array<i32>} : memref<1264x128xf32, #tpu.memory_space<vmem>>, vector<1264x128xf32>,
    return
  }
  func.func @transform_0(%arg0: i32) -> (i32, i32) {
    %c0_i32 = arith.constant 0 : i32
    %c0_i32_0 = arith.constant 0 : i32
    return %arg0, %c0_i32 : i32, i32
  }
  func.func @transform_1(%arg0: i32) -> (i32, i32) {
    %c0_i32 = arith.constant 0 : i32
    %c0_i32_0 = arith.constant 0 : i32
    return %arg0, %c0_i32 : i32, i32
  }
  func.func @transform_2(%arg0: i32) -> (i32, i32) {
    %c0_i32 = arith.constant 0 : i32
    %c0_i32_0 = arith.constant 0 : i32
    return %arg0, %c0_i32 : i32, i32
  }
  func.func @transform_3(%arg0: i32) -> (i32, i32) {
    %c0_i32 = arith.constant 0 : i32
    %c0_i32_0 = arith.constant 0 : i32
    return %arg0, %c0_i32 : i32, i32
  }
  func.func @transform_4(%arg0: i32) -> (i32, i32) {
    %c0_i32 = arith.constant 0 : i32
    %c0_i32_0 = arith.constant 0 : i32
    %c0_i32_1 = arith.constant 0 : i32
    return %c0_i32, %c0_i32_0 : i32, i32
  }
  func.func @transform_5(%arg0: i32) -> (i32, i32) {
    %c0_i32 = arith.constant 0 : i32
    %c0_i32_0 = arith.constant 0 : i32
    %c0_i32_1 = arith.constant 0 : i32
    return %c0_i32, %c0_i32_0 : i32, i32
  }
  func.func @transform_6(%arg0: i32) -> (i32, i32) {
    %c0_i32 = arith.constant 0 : i32
    %c0_i32_0 = arith.constant 0 : i32
    return %arg0, %c0_i32 : i32, i32
  }
  func.func @transform_7(%arg0: i32) -> (i32, i32) {
    %c0_i32 = arith.constant 0 : i32
    %c0_i32_0 = arith.constant 0 : i32
    return %arg0, %c0_i32 : i32, i32
  }
}

module attributes {stable_mosaic.version = 14 : i64} {
  func.func @_layer_body(%arg0: i32, %arg1: memref<1264x128xf32, #tpu.memory_space<vmem>>, %arg2: memref<1264x128xf32, #tpu.memory_space<vmem>>, %arg3: memref<1264x128xf32, #tpu.memory_space<vmem>>, %arg4: memref<1264x128xf32, #tpu.memory_space<vmem>>, %arg5: memref<128x128xf32, #tpu.memory_space<vmem>>, %arg6: memref<8x128xf32, #tpu.memory_space<vmem>>, %arg7: memref<1264x128xf32, #tpu.memory_space<vmem>>, %arg8: memref<1264x128xf32, #tpu.memory_space<vmem>>) attributes {dimension_semantics = [#tpu.dimension_semantics<arbitrary>], iteration_bounds = array<i64: 8>, scalar_prefetch = 0 : i64, scratch_operands = 0 : i64, tpu.core_type = #tpu.core_type<tc>, window_params = [{transform_indices = @transform_0, window_bounds = array<i64: 1264, 128>}, {transform_indices = @transform_1, window_bounds = array<i64: 1264, 128>}, {transform_indices = @transform_2, window_bounds = array<i64: 1264, 128>}, {transform_indices = @transform_3, window_bounds = array<i64: 1264, 128>}, {pipeline_mode = #tpu.pipeline_mode<synchronous>, transform_indices = @transform_4, window_bounds = array<i64: 128, 128>}, {pipeline_mode = #tpu.pipeline_mode<synchronous>, transform_indices = @transform_5, window_bounds = array<i64: 8, 128>}, {transform_indices = @transform_6, window_bounds = array<i64: 1264, 128>}, {transform_indices = @transform_7, window_bounds = array<i64: 1264, 128>}]} {
    %get3A = arith.constant 0 : index
    %get3A_0 = arith.constant 0 : index
    %get3A_1 = vector.load %arg1[%get3A, %get3A_0] : memref<1264x128xf32, #tpu.memory_space<vmem>>, vector<1264x128xf32>
    %get3A_2 = arith.constant 0 : index
    %get3A_3 = arith.constant 0 : index
    %get3A_4 = vector.load %arg2[%get3A_2, %get3A_3] : memref<1264x128xf32, #tpu.memory_space<vmem>>, vector<1264x128xf32>
    %add3A = arith.addf %get3A_1, %get3A_4 : vector<1264x128xf32>
    %get3A_5 = arith.constant 0 : index
    %get3A_6 = arith.constant 0 : index
    %get3A_7 = vector.load %arg3[%get3A_5, %get3A_6] : memref<1264x128xf32, #tpu.memory_space<vmem>>, vector<1264x128xf32>
    %mul3A = arith.mulf %add3A, %get3A_7 : vector<1264x128xf32>
    %get3A_8 = arith.constant 0 : index
    %get3A_9 = arith.constant 0 : index
    %get3A_10 = vector.load %arg5[%get3A_8, %get3A_9] : memref<128x128xf32, #tpu.memory_space<vmem>>, vector<128x128xf32>
    %dot_general3A = arith.constant dense<0.000000e+00> : vector<1264x128xf32>
    %dot_general3A_11 = tpu.matmul %mul3A, %get3A_10, %dot_general3A {dimension_numbers = #tpu.dot_dimension_numbers<[1], [0], [0], [1], [0, 0, 1, 1], [], []>, transpose_lhs_hint = false} : vector<1264x128xf32>, vector<128x128xf32>, vector<1264x128xf32> -> vector<1264x128xf32>
    %get3A_12 = arith.constant 0 : index
    %get3A_13 = arith.constant 0 : index
    %get3A_14 = vector.load %arg6[%get3A_12, %get3A_13] : memref<8x128xf32, #tpu.memory_space<vmem>>, vector<1x128xf32>
    %add3A_15 = vector.broadcast %get3A_14 : vector<1x128xf32> to vector<1264x128xf32>
    %add3A_16 = arith.addf %dot_general3A_11, %add3A_15 : vector<1264x128xf32>
    %swap3A = arith.constant 0 : index
    %swap3A_17 = arith.constant 0 : index
    %swap3A_18 = vector.load %arg7[%swap3A, %swap3A_17] : memref<1264x128xf32, #tpu.memory_space<vmem>>, vector<1264x128xf32>
    tpu.vector_store %arg7[%swap3A, %swap3A_17], %add3A_16 {strides = array<i32>} : memref<1264x128xf32, #tpu.memory_space<vmem>>, vector<1264x128xf32>,
    %get3A_19 = arith.constant 0 : index
    %get3A_20 = arith.constant 0 : index
    %get3A_21 = vector.load %arg4[%get3A_19, %get3A_20] : memref<1264x128xf32, #tpu.memory_space<vmem>>, vector<1264x128xf32>
    %mul3A_22 = arith.mulf %add3A_16, %get3A_21 : vector<1264x128xf32>
    %swap3A_23 = arith.constant 0 : index
    %swap3A_24 = arith.constant 0 : index
    %swap3A_25 = vector.load %arg8[%swap3A_23, %swap3A_24] : memref<1264x128xf32, #tpu.memory_space<vmem>>, vector<1264x128xf32>
    tpu.vector_store %arg8[%swap3A_23, %swap3A_24], %mul3A_22 {strides = array<i32>} : memref<1264x128xf32, #tpu.memory_space<vmem>>, vector<1264x128xf32>,
    return
  }
  func.func @transform_0(%arg0: i32) -> (i32, i32) {
    %c0_i32 = arith.constant 0 : i32
    %c0_i32_0 = arith.constant 0 : i32
    return %arg0, %c0_i32 : i32, i32
  }
  func.func @transform_1(%arg0: i32) -> (i32, i32) {
    %c0_i32 = arith.constant 0 : i32
    %c0_i32_0 = arith.constant 0 : i32
    return %arg0, %c0_i32 : i32, i32
  }
  func.func @transform_2(%arg0: i32) -> (i32, i32) {
    %c0_i32 = arith.constant 0 : i32
    %c0_i32_0 = arith.constant 0 : i32
    return %arg0, %c0_i32 : i32, i32
  }
  func.func @transform_3(%arg0: i32) -> (i32, i32) {
    %c0_i32 = arith.constant 0 : i32
    %c0_i32_0 = arith.constant 0 : i32
    return %arg0, %c0_i32 : i32, i32
  }
  func.func @transform_4(%arg0: i32) -> (i32, i32) {
    %c0_i32 = arith.constant 0 : i32
    %c0_i32_0 = arith.constant 0 : i32
    %c0_i32_1 = arith.constant 0 : i32
    return %c0_i32, %c0_i32_0 : i32, i32
  }
  func.func @transform_5(%arg0: i32) -> (i32, i32) {
    %c0_i32 = arith.constant 0 : i32
    %c0_i32_0 = arith.constant 0 : i32
    %c0_i32_1 = arith.constant 0 : i32
    return %c0_i32, %c0_i32_0 : i32, i32
  }
  func.func @transform_6(%arg0: i32) -> (i32, i32) {
    %c0_i32 = arith.constant 0 : i32
    %c0_i32_0 = arith.constant 0 : i32
    return %arg0, %c0_i32 : i32, i32
  }
  func.func @transform_7(%arg0: i32) -> (i32, i32) {
    %c0_i32 = arith.constant 0 : i32
    %c0_i32_0 = arith.constant 0 : i32
    return %arg0, %c0_i32 : i32, i32
  }
}

</mosaic_0001>

<sc_bundles>
// kernel: kernel.15.cloned.1.call-start
scs
__scs_entry_jumppad:
0x0: {  	(pc) =	sbr.rel $0x88, $3  }
0x1: {  	(tag) =	ssettag $0x0;
	lr =	simm.s32 $0x1  }
0x2: {  	[smem:$0x3F94] =	sst lr;
	_ =	strace $0xD0000000  }
0x3: {  	_ = 	snop  }
0x4: {  	_ = 	snop  }
0x5: {  	_ = 	snop  }
0x6: {  	_ = 	snop  }
0x7: {  	_ = 	snop  }
__scs_overlays_trampoline_lowered:
0x8: {  	[smem:$0x3FA3] =	sst s0  }
0x9: {  	[smem:$0x3FA4] =	sst s1  }
0xa: {  	[smem:$0x3FA5] =	sst s2  }
0xb: {  	[smem:$0x3FA6] =	sst s3  }
0xc: {  	[smem:$0x3FA7] =	sst s4  }
0xd: {  	[smem:$0x3FA8] =	sst s5  }
0xe: {  	[smem:$0x3FA9] =	sst s6  }
0xf: {  	[smem:$0x3FAA] =	sst s7  }
0x10: {  	[smem:$0x3FAB] =	sst s8  }
0x11: {  	[smem:$0x3FAC] =	sst s9;
	s0 =	simm.s32 @!p0 $0x0  }
0x12: {  	s1 =	sld [smem:$0x3F92];
	s0 =	simm.s32 @p0 $0x1  }
0x13: {  	[smem:$0x3FAD] =	sst s0;
	s0 =	simm.s32 @!p1 $0x0  }
0x14: {  	s2 =	sld [smem:$0x3F91];
	s0 =	simm.s32 @p1 $0x1  }
0x15: {  	[smem:$0x3FAE] =	sst s0;
	s0 =	simm.s32 @!p2 $0x0  }
0x16: {  	s3 =	sld [smem:$0x3FDB];
	s0 =	simm.s32 @p2 $0x1  }
0x17: {  	s4 =	simm.s32 $0x1BF5;
	[smem:$0x3FB0] =	sst s0  }
0x18: {  	s0 =	sld [smem:$0x3F93];
	_ =	swait.ge [sflag:s4], $0x0  }
0x19: {  	s7 =	sld [smem:$0x3F94]  }
0x1a: {  	s8 =	sadd.s32 $0xFFFFE003, lr  }
0x1b: {  	s9 =	sadd.s32 $0xFFFFFEF7, lr;
	s5 =	simm.s32 $0xFFFFFFFF;
	p2 =	slt.u32 s8, $0xFFFFF086  }
0x1c: {  	p1 =	slt.u32 s9, $0xF7A;
	s5 =	simm.s32 @!p2 $0x0  }
0x1d: {  	s5 =	simm.s32 @p1 $0x1;
	p0 =	seq.s32 s7, s2  }
0x1e: {  	s7 =	smul.u32 @!p0 $0xF7A, s2;
	p2 =	seq.s32 @!p0 s5, $0x0  }
0x1f: {  	s9 =	smul.u32 $0xF7A, s1;
	s8 =	simm.s32 @!p0 $0x1BF5;
	p2 =	por !p2, p0  }
0x20: {  	[sflag:s8] =	ssyncset.s32 @!p0 $0xFFFFF086;
	s6 =	sadd.s32 @!p0 s3, s7;
	s7 =	simm.s32 @!p0 $0x108  }
0x21: {  	s3 =	sadd.s32 s3, s9;
	s6 =	sadd.s32 @!p0 $0x88, s6;
	s7 =	simm.s32 @p2 $0x1082  }
0x22: {  	[simem:s7], [sflag:s8] =	dma.local @!p0 [hbm:s6], $0xF7A  }
0x23: {  	s9 =	sor.u32 $0xD0000000, s2;
	s6 =	simm.s32 $0x108;
	_ =	swait.ge @!p0 [sflag:s8], $0x0  }
0x24: {  	s3 =	sadd.s32 $0x88, s3;
	s6 =	simm.s32 @!p1 $0x1082;
	[sflag:s4] =	ssyncset.s32 $0xFFFFF086  }
0x25: {  	[simem:s6], [sflag:s4] =	dma.local [hbm:s3], $0xF7A  }
0x26: {  	[smem:$0x3F94] =	sst s1;
	(tag) =	ssettag s2;
	_ =	strace s9  }
0x27: {  	s1 =	sld [smem:$0x3FA4]  }
0x28: {  	s2 =	sld [smem:$0x3FA5]  }
0x29: {  	s4 =	sld [smem:$0x3FA7]  }
0x2a: {  	p0 =	seq.s32 s5, $0x0;
	s5 =	sld [smem:$0x3FA8]  }
0x2b: {  	s6 =	sld [smem:$0x3FA9]  }
0x2c: {  	s7 =	sld [smem:$0x3FAA]  }
0x2d: {  	s3 =	simm.s32 $0x108;
	s8 =	sld [smem:$0x3FAB]  }
0x2e: {  	s3 =	simm.s32 @!p0 $0x1082;
	s9 =	sld [smem:$0x3FAC]  }
0x2f: {  	lr =	sadd.s32 s0, s3;
	s0 =	sld [smem:$0x3FA3]  }
0x30: {  	s3 =	sld [smem:$0x3FA6]  }
0x31: {  	[smem:$0x3FAF] =	sst s10  }
0x32: {  	s10 =	sld [smem:$0x3FAD];
	_ =	sdelay $0x3  }
0x33: {  	p0 =	seq.s32 s10, $0x1;
	s10 =	sld [smem:$0x3FAF];
	_ =	sdelay $0x3  }
0x34: {  	[smem:$0x3FAF] =	sst s10  }
0x35: {  	s10 =	sld [smem:$0x3FAE];
	_ =	sdelay $0x3  }
0x36: {  	p1 =	seq.s32 s10, $0x1;
	s10 =	sld [smem:$0x3FAF];
	_ =	sdelay $0x3  }
0x37: {  	[smem:$0x3FAF] =	sst s10  }
0x38: {  	s10 =	sld [smem:$0x3FB0]  }
0x39: {  	_ = 	snop;
	(pc) =	sbr.ind lr, $3  }
0x3a: {  	_ = 	snop  }
0x3b: {  	_ = 	snop  }
0x3c: {  	p2 =	seq.s32 s10, $0x1;
	s10 =	sld [smem:$0x3FAF]  }
0x3d: {  	_ =	shalt  }
0x3e: {  	_ =	shalt  }
0x3f: {  	_ =	shalt  }
0x40: {  	_ =	shalt  }
0x41: {  	_ =	shalt  }
0x42: {  	_ =	shalt  }
0x43: {  	_ =	shalt  }
0x44: {  	_ =	shalt  }
0x45: {  	_ =	shalt  }
0x46: {  	_ =	shalt  }
0x47: {  	_ =	shalt  }
0x48: {  	_ =	shalt  }
0x49: {  	_ =	shalt  }
0x4a: {  	_ =	shalt  }
0x4b: {  	_ =	shalt  }
0x4c: {  	_ =	shalt  }
0x4d: {  	_ =	shalt  }
0x4e: {  	_ =	shalt  }
0x4f: {  	_ =	shalt  }
0x50: {  	_ =	shalt  }
0x51: {  	_ =	shalt  }
0x52: {  	_ =	shalt  }
0x53: {  	_ =	shalt  }
0x54: {  	_ =	shalt  }
0x55: {  	_ =	shalt  }
0x56: {  	_ =	shalt  }
0x57: {  	_ =	shalt  }
0x58: {  	_ =	shalt  }
0x59: {  	_ =	shalt  }
0x5a: {  	_ =	shalt  }
0x5b: {  	_ =	shalt  }
0x5c: {  	_ =	shalt  }
0x5d: {  	_ =	shalt  }
0x5e: {  	_ =	shalt  }
0x5f: {  	_ =	shalt  }
0x60: {  	_ =	shalt  }
0x61: {  	_ =	shalt  }
0x62: {  	_ =	shalt  }
0x63: {  	_ =	shalt  }
0x64: {  	_ =	shalt  }
0x65: {  	_ =	shalt  }
0x66: {  	_ =	shalt  }
0x67: {  	_ =	shalt  }
0x68: {  	_ =	shalt  }
0x69: {  	_ =	shalt  }
0x6a: {  	_ =	shalt  }
0x6b: {  	_ =	shalt  }
0x6c: {  	_ =	shalt  }
0x6d: {  	_ =	shalt  }
0x6e: {  	_ =	shalt  }
0x6f: {  	_ =	shalt  }
0x70: {  	_ =	shalt  }
0x71: {  	_ =	shalt  }
0x72: {  	_ =	shalt  }
0x73: {  	_ =	shalt  }
0x74: {  	_ =	shalt  }
0x75: {  	_ =	shalt  }
0x76: {  	_ =	shalt  }
0x77: {  	_ =	shalt  }
0x78: {  	_ =	shalt  }
0x79: {  	_ =	shalt  }
0x7a: {  	_ =	shalt  }
0x7b: {  	_ =	shalt  }
0x7c: {  	_ =	shalt  }
0x7d: {  	_ =	shalt  }
0x7e: {  	_ =	shalt  }
0x7f: {  	_ =	shalt  }
0x80: {  	_ =	shalt  }
0x81: {  	_ =	shalt  }
0x82: {  	_ =	shalt  }
0x83: {  	_ =	shalt  }
0x84: {  	_ =	shalt  }
0x85: {  	_ =	shalt  }
0x86: {  	_ =	shalt  }
0x87: {  	_ =	shalt  }
.Lfunc_end0:
.L_simem_size_0:
called_computation_lowered:
.L_overlay_start_0:
0x88: {  	s2 =	sld [smem:$0x3FD9]  }
0x89: {  	s3 =	sld [smem:$0x3FFE];
	_ =	sdelay $0x1  }
0x8a: {  	s1 =	srdreg.scid  }
0x8b: {  	s0 =	sand.u32 $0x1, s1  }
0x8c: {  	s14 =	sshll.u32 s0, $0xA;
	s2 =	sadd.s32 s3, s2  }
0x8d: {  	s2 =	sadd.s32 s2, s14  }
0x8e: {  	[smem:$0x3FBB] =	sst s2  }
0x8f: {  	_ = 	snop  }
0x90: {  	s2 =	sld [smem:$0x3FD0];
	_ =	sdelay $0x2  }
0x91: {  	s15 =	simm.s32 $0xA;
	s4 =	simm.s32 $0x10  }
0x92: {  	[smem:s4], [sflag:s15] =	dma.local [hbm:s2], $0x1  }
0x93: {  	_ =	swait.eq [sflag:s15], $0x1  }
0x94: {  	[sflag:s15] =	ssyncset.done $0x0  }
0x95: {  	s16 =	sld [smem:$0x11];
	[sflag:s15] =	ssyncadd.s32 $0xFFFFFFFF  }
0x96: {  	s17 =	sld [smem:$0x12];
	(tm) =	ssettm $0x1  }
0x97: {  	s18 =	sld [smem:$0x3FFB];
	_ =	sdelay $0x3  }
0x98: {  	_ =	strace s18  }
0x99: {  	s4 =	sld [smem:$0x3FFC];
	_ =	sdelay $0x3  }
0x9a: {  	_ =	strace s4  }
0x9b: {  	s4 =	sld [smem:$0x3FFD];
	_ =	sdelay $0x3  }
0x9c: {  	_ =	strace s4  }
0x9d: {  	_ =	strace $0x8FFFFFFF  }
0x9e: {  	s19 =	sld [smem:$0x3FDB];
	_ =	sdelay $0x1  }
0x9f: {  	s5 =	simm.s32 $_scs_section_size  }
0xa0: {  	s6 =	simm.s32 $_size__tile_overlayer_lowered;
	s7 =	simm.s32 $_tile_overlayer_lowered  }
0xa1: {  	s22 =	simm.s32 $0x1BFF;
	s21 =	sshll.u32 s7, $0x1;
	s4 =	sadd.s32 s5, s19  }
0xa2: {  	s8 =	simm.s32 $0x0;
	s20 =	sshll.u32 s6, $0x1;
	s6 =	sadd.s32 s21, s4  }
0xa3: {  	[timem:s8], [sflag:s22] =	dma.local [hbm:s6], s20  }
0xa4: {  	_ =	swait.ge [sflag:s22], s20  }
0xa5: {  	s5 =	ssub.s32 $0x0, s20;
	[sflag:s22] =	ssyncset.done $0x0  }
0xa6: {  	[sflag:s22] =	ssyncadd.s32 s5;
	_ =	sdelay $0x1  }
0xa7: {  	s23 =	simm.s32 $0x1B8B  }
0xa8: {  	_ =	swait.ge [sflag:s23], $0x1  }
0xa9: {  	[sflag:s23] =	ssyncset.done $0x0  }
0xaa: {  	s25 =	simm.s32 $0x1B8E;
	s24 =	sld [smem:$0x3FFE];
	[sflag:s23] =	ssyncadd.s32 $0xFFFFFFFF  }
0xab: {  	s26 =	simm.s32 $execute0_lowered;
	[smem:$0x3FD2] =	sst s25  }
0xac: {  	s6 =	sshll.u32 s26, $0x1;
	_ =	strace $0x80000046;
	[dreg:$0x1] =	wrdreg $0xFFFFFFFF  }
0xad: {  	s28 =	simm.s32 $_size_execute0_lowered;
	s4 =	sadd.s32 s4, s6;
	[dreg:$0x0] =	wrdreg $0x0  }
0xae: {  	s6 =	sshll.u32 s28, $0x1;
	[dreg:$0x2] =	wrdreg s4  }
0xaf: {  	[dreg:$0x3] =	wrdreg s6  }
0xb0: {  	[dreg:$0x4] =	wrdreg $0xC0  }
0xb1: {  	_ =	task [dreg:s8], $0x5FFFF  }
0xb2: {  	[dreg:$0x1] =	wrdreg $0xFFFFFFFF  }
0xb3: {  	[dreg:$0x0] =	wrdreg $0x60  }
0xb4: {  	[dreg:$0x2] =	wrdreg s16  }
0xb5: {  	[dreg:$0x3] =	wrdreg s24  }
0xb6: {  	[dreg:$0x4] =	wrdreg s17  }
0xb7: {  	[dreg:$0x5] =	wrdreg $0x0  }
0xb8: {  	[dreg:$0x6] =	wrdreg $0x9  }
0xb9: {  	_ =	task.clear_ibuf [dreg:s8], $0x7FFFF;
	_ =	strace $0x90000046  }
0xba: {  	s29 =	simm.s32 $0x9;
	_ =	strace $0x80000048  }
0xbb: {  	_ =	swait.ge [sflag:s29], $0x1  }
0xbc: {  	[sflag:s29] =	ssyncadd.s32 $0xFFFFFFFF  }
0xbd: {  	_ =	strace $0x90000048  }
0xbe: {  	_ =	sfence  }
0xbf: {  	s30 =	sld [smem:$0x0];
	_ =	sdelay $0x2  }
0xc0: {  	s31 =	sshll.u32 s1, $0xD;
	s1 =	sshrl.u32 s1, $0x2  }
0xc1: {  	s3 =	sand.u32 $0x4000, s31;
	s1 =	sadd.s32 s1, s30  }
0xc2: {  	s0 =	sor.u32 s3, s0;
	s1 =	sshll.u32 s1, $0x11  }
0xc3: {  	s0 =	sor.u32 s1, s0  }
0xc4: {  	s0 =	sadd.s32 $0x8F2B, s0  }
0xc5: {  	[sflag:s0] =	ssyncadd.remote.s32 $0x1  }
0xc6: {  	_ =	sfence.sel $0xFFFF  }
0xc7: {  	[dreg:$0x0] =	wrdreg $0xFFFFFFFF;
	(pc) =	sbr.abs _section_cstart, $3  }
0xc8: {  	[dreg:$0x1] =	wrdreg $0xFFFFFFFF  }
0xc9: {  	_ =	task.clear_ibuf [dreg:s8], $0x2FFFF;
	_ =	strace $0x9FFFFFFF  }
0xca: {  	(tm) =	ssettm $0x7FFFFFFF  }
0xcb: {  	_ =	shalt  }
tec
execute0_lowered:
.L_overlay_start_1:
0x0: {  	(tag) =	ssettag $0x1  }
0x1: {  	s8 =	rddreg [dreg:$0x0]  }
0x2: {  	s5 =	rddreg [dreg:$0x1]  }
0x3: {  	s6 =	rddreg [dreg:$0x2]  }
0x4: {  	s1 =	rddreg [dreg:$0x3]  }
0x5: {  	s0 =	rddreg [dreg:$0x4];
	s2 =	stileid.u32  }
0x6: {  	s3 =	simm.s32 $0x0;
	s4 =	srdreg.scid;
	s9 =	smul.u32 $0x9F0, s2  }
0x7: {  	s15 =	simm.s32 $0x0;
	[smem:$0x7FF] =	sst s3;
	s11 =	smul.u32 $0x13E00, s2  }
0x8: {  	s7 =	sand.u32 $0x1, s4;
	s4 =	sadd.s32 $0x7400, s5;
	s29 =	smul.u32 $0x13A0, s2  }
0x9: {  	s5 =	sadd.s32 $0x6A00, s5;
	s31 =	sshll.u32 s2, $0x6;
	s13 =	smul.u32 $0x9F00, s7  }
0xa: {  	_ =	strace $0x80000047;
	s10 =	ssub.s32 $0x2, s7;
	s30 =	smul.u32 $0x9D0, s7  }
0xb: {  	s12 =	sshrl.u32 s10, $0x1;
	s11 =	sshrl.u32 s11, $0x2;
	s8 =	sadd.s32 s29, s8  }
0xc: {  	s10 =	ssub.s32 s10, s12;
	s14 =	sadd.s32 s11, s1;
	s9 =	sadd.s32 s9, s13  }
0xd: {  	s8 =	sadd.s32 s30, s8;
	s11 =	sor.u32 $0x1C01, s31;
	s13 =	simm.s32 $0x4F80  }
0xe: {  	s6 =	sadd.s32 s6, s9;
	s7 =	smax.u32 s10, $0x1;
	s9 =	simm.s32 $0x5000  }
0xf: {  	s10 =	simm.s32 $0x1;
	s12 =	sshrl.u32 s14, $0x3;
	s14 =	simm.s32 $0x80  }
.LBB2_1:
0x10: {  	[tilespmem:s9], [sflag:$0x1] =	stream.linear.gather [hbm4b:s4+s3], $0x800, $0x38;
	[tilespmem:$0x5800] =	vst v63  }
0x11: {  	_ =	swait.ge [sflag:s10], $0x800  }
0x12: {  	[sflag:s10] =	ssyncset.done $0x0  }
0x13: {  	[sflag:s10] =	ssyncadd.s32 $0xFFFFF800  }
0x14: {  	[spmem:s12], [sflag:s11] =	dma.local [hbm:s5], $0x9F0  }
0x15: {  	_ =	swait.ge [sflag:s10], $0x9F0  }
0x16: {  	[sflag:s10] =	ssyncset.done $0x0  }
0x17: {  	[sflag:s10] =	ssyncadd.s32 $0xFFFFF610  }
0x18: {  	s16 =	sadd.s32 $0x0, s8;
	[bflag:$0x0] =	sbarrier.arrive $0xFFFF  }
0x19: {  	[tilespmem:s13], [sflag:$0x1] =	stream.linear.gather [hbm4b:s16+s3], $0x80, $0x38;
	[tilespmem:$0x5800] =	vst v63  }
0x1a: {  	_ =	swait.ge [sflag:s10], $0x80  }
0x1b: {  	[sflag:s10] =	ssyncset.done $0x0  }
0x1c: {  	[sflag:s10] =	ssyncadd.s32 $0xFFFFFF80  }
0x1d: {  	[spmem:s1] =	stream.indirect.scatter.add.f32 [tilespmem:s9], [sflag:$0x1], $0x10, s13, s14, $0xb8;
	[tilespmem:$0x5800] =	vst v63  }
0x1e: {  	_ =	swait.ge [sflag:s10], $0x800  }
0x1f: {  	s17 =	simm.s32 $0x20;
	s16 =	simm.s32 $0x10;
	[sflag:s10] =	ssyncset.done $0x0  }
.LBB2_2:
0x20: {  	s18 =	sadd.s32 s16, s8  }
0x21: {  	[sflag:s10] =	ssyncadd.s32 $0xFFFFF800;
	s16 =	smov.u32 s17;
	s19 =	sadd.s32 $0x10, s17  }
0x22: {  	[tilespmem:s13], [sflag:$0x1] =	stream.linear.gather [hbm4b:s18+s3], $0x80, $0x38;
	[tilespmem:$0x5800] =	vst v63  }
0x23: {  	p0 =	sne.s32 s17, $0x9C0;
	_ =	swait.ge [sflag:s10], $0x80  }
.Ltmp0:
0x24: {  	[sflag:s10] =	ssyncset.done $0x0;
	(pc) =	sbr.rel @p0 .LBB2_2-.Ltmp0, $4  }
0x25: {  	[sflag:s10] =	ssyncadd.s32 $0xFFFFFF80  }
0x26: {  	[spmem:s1] =	stream.indirect.scatter.add.f32 [tilespmem:s9], [sflag:$0x1], $0x10, s13, s14, $0xb8;
	[tilespmem:$0x5800] =	vst v63  }
0x27: {  	_ =	swait.ge [sflag:s10], $0x800  }
0x28: {  	s17 =	smov.u32 s19;
	[sflag:s10] =	ssyncset.done $0x0  }
0x29: {  	s16 =	sadd.s32 s16, s8;
	[sflag:s10] =	ssyncadd.s32 $0xFFFFF800  }
0x2a: {  	[tilespmem:s13], [sflag:$0x1] =	stream.linear.gather [hbm4b:s16+s3], $0x80, $0x38;
	[tilespmem:$0x5800] =	vst v63  }
0x2b: {  	_ =	swait.ge [sflag:s10], $0x80  }
0x2c: {  	[sflag:s10] =	ssyncset.done $0x0  }
0x2d: {  	[sflag:s10] =	ssyncadd.s32 $0xFFFFFF80  }
0x2e: {  	[spmem:s1] =	stream.indirect.scatter.add.f32 [tilespmem:s9], [sflag:$0x1], $0x10, s13, s14, $0xb8;
	[tilespmem:$0x5800] =	vst v63  }
0x2f: {  	_ =	swait.ge [sflag:s10], $0x800  }
0x30: {  	s15 =	sadd.s32 $0x1, s15;
	[sflag:s10] =	ssyncset.done $0x0  }
0x31: {  	p0 =	sne.s32 s15, s7;
	[sflag:s10] =	ssyncadd.s32 $0xFFFFF800  }
.Ltmp1:
0x32: {  	[bflag:$0x0] =	sbarrier.arrive $0xFFFF;
	(pc) =	sbr.rel @p0 .LBB2_1-.Ltmp1, $4  }
0x33: {  	[hbm:s6], [sflag:s11] =	dma.local [spmem:s12], $0x9F0  }
0x34: {  	_ =	swait.ge [sflag:s10], $0x9F0  }
0x35: {  	[sflag:s10] =	ssyncset.done $0x0  }
0x36: {  	[sflag:s10] =	ssyncadd.s32 $0xFFFFF610  }
0x37: {  	_ =	sfence.sel $0x180000  }
0x38: {  	[bflag:$0x0] =	sbarrier.arrive $0xFFFF  }
0x39: {  	p0 =	sne.s32 s2, $0x0;
	_ =	strace $0x90000047  }
0x3a: {  	s0 =	sadd.s32 @!p0 $0x100000, s0;
	[bflag:$0x2] =	sbarrier.arrive $0xFFFF  }
0x3b: {  	[sflag:s0] =	ssyncadd.tile.s32 @!p0 $0x1;
	_ =	shalt  }
.Lfunc_end2:
_tile_overlayer_lowered:
.L_overlay_start_2:
0x3c: {  	(tag) =	ssettag $0x2  }
0x3d: {  	s0 =	rddreg [dreg:$0x0];
	s2 =	stileid.u32  }
0x3e: {  	s1 =	rddreg [dreg:$0x1];
	p0 =	sne.s32 s2, $0x0  }
0x3f: {  	s3 =	rddreg [dreg:$0x2];
	[bflag:$0x3] =	sbarrier.arrive $0xFFFF;
	s2 =	simm.s32 @!p0 $0x1C01  }
0x40: {  	[timem:s3], [sflag:s2] =	dma.local @!p0 [hbm:s0], s1  }
0x41: {  	s0 =	simm.s32 @!p0 $0x1  }
0x42: {  	_ =	swait.ge @!p0 [sflag:s0], s1  }
0x43: {  	s1 =	ssub.s32 @!p0 $0x0, s1;
	[sflag:s0] =	ssyncset.done @!p0 $0x0  }
0x44: {  	[sflag:s0] =	ssyncadd.s32 @!p0 s1  }
0x45: {  	[bflag:$0x3] =	sbarrier.arrive $0xFFFF  }
0x46: {  	_ =	shalt  }

// kernel: kernel.18.cloned.1.call-start
scs
__scs_entry_jumppad:
0x0: {  	(pc) =	sbr.rel $0x88, $3  }
0x1: {  	(tag) =	ssettag $0x0;
	lr =	simm.s32 $0x1  }
0x2: {  	[smem:$0x3F94] =	sst lr;
	_ =	strace $0xD0000000  }
0x3: {  	_ = 	snop  }
0x4: {  	_ = 	snop  }
0x5: {  	_ = 	snop  }
0x6: {  	_ = 	snop  }
0x7: {  	_ = 	snop  }
__scs_overlays_trampoline_lowered:
0x8: {  	[smem:$0x3FA3] =	sst s0  }
0x9: {  	[smem:$0x3FA4] =	sst s1  }
0xa: {  	[smem:$0x3FA5] =	sst s2  }
0xb: {  	[smem:$0x3FA6] =	sst s3  }
0xc: {  	[smem:$0x3FA7] =	sst s4  }
0xd: {  	[smem:$0x3FA8] =	sst s5  }
0xe: {  	[smem:$0x3FA9] =	sst s6  }
0xf: {  	[smem:$0x3FAA] =	sst s7  }
0x10: {  	[smem:$0x3FAB] =	sst s8  }
0x11: {  	[smem:$0x3FAC] =	sst s9;
	s0 =	simm.s32 @!p0 $0x0  }
0x12: {  	s1 =	sld [smem:$0x3F92];
	s0 =	simm.s32 @p0 $0x1  }
0x13: {  	[smem:$0x3FAD] =	sst s0;
	s0 =	simm.s32 @!p1 $0x0  }
0x14: {  	s2 =	sld [smem:$0x3F91];
	s0 =	simm.s32 @p1 $0x1  }
0x15: {  	[smem:$0x3FAE] =	sst s0;
	s0 =	simm.s32 @!p2 $0x0  }
0x16: {  	s3 =	sld [smem:$0x3FDB];
	s0 =	simm.s32 @p2 $0x1  }
0x17: {  	s4 =	simm.s32 $0x1BF5;
	[smem:$0x3FB0] =	sst s0  }
0x18: {  	s0 =	sld [smem:$0x3F93];
	_ =	swait.ge [sflag:s4], $0x0  }
0x19: {  	s7 =	sld [smem:$0x3F94]  }
0x1a: {  	s8 =	sadd.s32 $0xFFFFE003, lr  }
0x1b: {  	s9 =	sadd.s32 $0xFFFFFEF7, lr;
	s5 =	simm.s32 $0xFFFFFFFF;
	p2 =	slt.u32 s8, $0xFFFFF086  }
0x1c: {  	p1 =	slt.u32 s9, $0xF7A;
	s5 =	simm.s32 @!p2 $0x0  }
0x1d: {  	s5 =	simm.s32 @p1 $0x1;
	p0 =	seq.s32 s7, s2  }
0x1e: {  	s7 =	smul.u32 @!p0 $0xF7A, s2;
	p2 =	seq.s32 @!p0 s5, $0x0  }
0x1f: {  	s9 =	smul.u32 $0xF7A, s1;
	s8 =	simm.s32 @!p0 $0x1BF5;
	p2 =	por !p2, p0  }
0x20: {  	[sflag:s8] =	ssyncset.s32 @!p0 $0xFFFFF086;
	s6 =	sadd.s32 @!p0 s3, s7;
	s7 =	simm.s32 @!p0 $0x108  }
0x21: {  	s3 =	sadd.s32 s3, s9;
	s6 =	sadd.s32 @!p0 $0x88, s6;
	s7 =	simm.s32 @p2 $0x1082  }
0x22: {  	[simem:s7], [sflag:s8] =	dma.local @!p0 [hbm:s6], $0xF7A  }
0x23: {  	s9 =	sor.u32 $0xD0000000, s2;
	s6 =	simm.s32 $0x108;
	_ =	swait.ge @!p0 [sflag:s8], $0x0  }
0x24: {  	s3 =	sadd.s32 $0x88, s3;
	s6 =	simm.s32 @!p1 $0x1082;
	[sflag:s4] =	ssyncset.s32 $0xFFFFF086  }
0x25: {  	[simem:s6], [sflag:s4] =	dma.local [hbm:s3], $0xF7A  }
0x26: {  	[smem:$0x3F94] =	sst s1;
	(tag) =	ssettag s2;
	_ =	strace s9  }
0x27: {  	s1 =	sld [smem:$0x3FA4]  }
0x28: {  	s2 =	sld [smem:$0x3FA5]  }
0x29: {  	s4 =	sld [smem:$0x3FA7]  }
0x2a: {  	p0 =	seq.s32 s5, $0x0;
	s5 =	sld [smem:$0x3FA8]  }
0x2b: {  	s6 =	sld [smem:$0x3FA9]  }
0x2c: {  	s7 =	sld [smem:$0x3FAA]  }
0x2d: {  	s3 =	simm.s32 $0x108;
	s8 =	sld [smem:$0x3FAB]  }
0x2e: {  	s3 =	simm.s32 @!p0 $0x1082;
	s9 =	sld [smem:$0x3FAC]  }
0x2f: {  	lr =	sadd.s32 s0, s3;
	s0 =	sld [smem:$0x3FA3]  }
0x30: {  	s3 =	sld [smem:$0x3FA6]  }
0x31: {  	[smem:$0x3FAF] =	sst s10  }
0x32: {  	s10 =	sld [smem:$0x3FAD];
	_ =	sdelay $0x3  }
0x33: {  	p0 =	seq.s32 s10, $0x1;
	s10 =	sld [smem:$0x3FAF];
	_ =	sdelay $0x3  }
0x34: {  	[smem:$0x3FAF] =	sst s10  }
0x35: {  	s10 =	sld [smem:$0x3FAE];
	_ =	sdelay $0x3  }
0x36: {  	p1 =	seq.s32 s10, $0x1;
	s10 =	sld [smem:$0x3FAF];
	_ =	sdelay $0x3  }
0x37: {  	[smem:$0x3FAF] =	sst s10  }
0x38: {  	s10 =	sld [smem:$0x3FB0]  }
0x39: {  	_ = 	snop;
	(pc) =	sbr.ind lr, $3  }
0x3a: {  	_ = 	snop  }
0x3b: {  	_ = 	snop  }
0x3c: {  	p2 =	seq.s32 s10, $0x1;
	s10 =	sld [smem:$0x3FAF]  }
0x3d: {  	_ =	shalt  }
0x3e: {  	_ =	shalt  }
0x3f: {  	_ =	shalt  }
0x40: {  	_ =	shalt  }
0x41: {  	_ =	shalt  }
0x42: {  	_ =	shalt  }
0x43: {  	_ =	shalt  }
0x44: {  	_ =	shalt  }
0x45: {  	_ =	shalt  }
0x46: {  	_ =	shalt  }
0x47: {  	_ =	shalt  }
0x48: {  	_ =	shalt  }
0x49: {  	_ =	shalt  }
0x4a: {  	_ =	shalt  }
0x4b: {  	_ =	shalt  }
0x4c: {  	_ =	shalt  }
0x4d: {  	_ =	shalt  }
0x4e: {  	_ =	shalt  }
0x4f: {  	_ =	shalt  }
0x50: {  	_ =	shalt  }
0x51: {  	_ =	shalt  }
0x52: {  	_ =	shalt  }
0x53: {  	_ =	shalt  }
0x54: {  	_ =	shalt  }
0x55: {  	_ =	shalt  }
0x56: {  	_ =	shalt  }
0x57: {  	_ =	shalt  }
0x58: {  	_ =	shalt  }
0x59: {  	_ =	shalt  }
0x5a: {  	_ =	shalt  }
0x5b: {  	_ =	shalt  }
0x5c: {  	_ =	shalt  }
0x5d: {  	_ =	shalt  }
0x5e: {  	_ =	shalt  }
0x5f: {  	_ =	shalt  }
0x60: {  	_ =	shalt  }
0x61: {  	_ =	shalt  }
0x62: {  	_ =	shalt  }
0x63: {  	_ =	shalt  }
0x64: {  	_ =	shalt  }
0x65: {  	_ =	shalt  }
0x66: {  	_ =	shalt  }
0x67: {  	_ =	shalt  }
0x68: {  	_ =	shalt  }
0x69: {  	_ =	shalt  }
0x6a: {  	_ =	shalt  }
0x6b: {  	_ =	shalt  }
0x6c: {  	_ =	shalt  }
0x6d: {  	_ =	shalt  }
0x6e: {  	_ =	shalt  }
0x6f: {  	_ =	shalt  }
0x70: {  	_ =	shalt  }
0x71: {  	_ =	shalt  }
0x72: {  	_ =	shalt  }
0x73: {  	_ =	shalt  }
0x74: {  	_ =	shalt  }
0x75: {  	_ =	shalt  }
0x76: {  	_ =	shalt  }
0x77: {  	_ =	shalt  }
0x78: {  	_ =	shalt  }
0x79: {  	_ =	shalt  }
0x7a: {  	_ =	shalt  }
0x7b: {  	_ =	shalt  }
0x7c: {  	_ =	shalt  }
0x7d: {  	_ =	shalt  }
0x7e: {  	_ =	shalt  }
0x7f: {  	_ =	shalt  }
0x80: {  	_ =	shalt  }
0x81: {  	_ =	shalt  }
0x82: {  	_ =	shalt  }
0x83: {  	_ =	shalt  }
0x84: {  	_ =	shalt  }
0x85: {  	_ =	shalt  }
0x86: {  	_ =	shalt  }
0x87: {  	_ =	shalt  }
.Lfunc_end0:
.L_simem_size_0:
called_computation.1_lowered:
.L_overlay_start_0:
0x88: {  	s2 =	sld [smem:$0x3FD9]  }
0x89: {  	s3 =	sld [smem:$0x3FFE];
	_ =	sdelay $0x1  }
0x8a: {  	s1 =	srdreg.scid  }
0x8b: {  	s0 =	sand.u32 $0x1, s1  }
0x8c: {  	s14 =	sshll.u32 s0, $0xA;
	s2 =	sadd.s32 s3, s2  }
0x8d: {  	s2 =	sadd.s32 s2, s14  }
0x8e: {  	[smem:$0x3FBB] =	sst s2  }
0x8f: {  	_ = 	snop  }
0x90: {  	s2 =	sld [smem:$0x3FD0];
	_ =	sdelay $0x2  }
0x91: {  	s15 =	simm.s32 $0xA;
	s4 =	simm.s32 $0x10  }
0x92: {  	[smem:s4], [sflag:s15] =	dma.local [hbm:s2], $0x1  }
0x93: {  	_ =	swait.eq [sflag:s15], $0x1  }
0x94: {  	[sflag:s15] =	ssyncset.done $0x0  }
0x95: {  	s16 =	sld [smem:$0x10];
	[sflag:s15] =	ssyncadd.s32 $0xFFFFFFFF  }
0x96: {  	s17 =	sld [smem:$0x12];
	(tm) =	ssettm $0x1  }
0x97: {  	s18 =	sld [smem:$0x3FFB];
	_ =	sdelay $0x3  }
0x98: {  	_ =	strace s18  }
0x99: {  	s4 =	sld [smem:$0x3FFC];
	_ =	sdelay $0x3  }
0x9a: {  	_ =	strace s4  }
0x9b: {  	s4 =	sld [smem:$0x3FFD];
	_ =	sdelay $0x3  }
0x9c: {  	_ =	strace s4  }
0x9d: {  	_ =	strace $0x8FFFFFFF  }
0x9e: {  	s19 =	sld [smem:$0x3FDB];
	_ =	sdelay $0x1  }
0x9f: {  	s5 =	simm.s32 $_scs_section_size  }
0xa0: {  	s6 =	simm.s32 $_size__tile_overlayer_lowered;
	s7 =	simm.s32 $_tile_overlayer_lowered  }
0xa1: {  	s22 =	simm.s32 $0x1BFF;
	s21 =	sshll.u32 s7, $0x1;
	s4 =	sadd.s32 s5, s19  }
0xa2: {  	s8 =	simm.s32 $0x0;
	s20 =	sshll.u32 s6, $0x1;
	s6 =	sadd.s32 s21, s4  }
0xa3: {  	[timem:s8], [sflag:s22] =	dma.local [hbm:s6], s20  }
0xa4: {  	_ =	swait.ge [sflag:s22], s20  }
0xa5: {  	s5 =	ssub.s32 $0x0, s20;
	[sflag:s22] =	ssyncset.done $0x0  }
0xa6: {  	[sflag:s22] =	ssyncadd.s32 s5;
	_ =	sdelay $0x1  }
0xa7: {  	s23 =	simm.s32 $0x1B8B  }
0xa8: {  	_ =	swait.ge [sflag:s23], $0x1  }
0xa9: {  	[sflag:s23] =	ssyncset.done $0x0  }
0xaa: {  	s25 =	simm.s32 $0x1B8E;
	s24 =	sld [smem:$0x3FFE];
	[sflag:s23] =	ssyncadd.s32 $0xFFFFFFFF  }
0xab: {  	s26 =	simm.s32 $execute0_lowered;
	[smem:$0x3FD2] =	sst s25  }
0xac: {  	s6 =	sshll.u32 s26, $0x1;
	_ =	strace $0x80000049;
	[dreg:$0x1] =	wrdreg $0xFFFFFFFF  }
0xad: {  	s28 =	simm.s32 $_size_execute0_lowered;
	s4 =	sadd.s32 s4, s6;
	[dreg:$0x0] =	wrdreg $0x0  }
0xae: {  	s6 =	sshll.u32 s28, $0x1;
	[dreg:$0x2] =	wrdreg s4  }
0xaf: {  	[dreg:$0x3] =	wrdreg s6  }
0xb0: {  	[dreg:$0x4] =	wrdreg $0xC0  }
0xb1: {  	_ =	task [dreg:s8], $0x5FFFF  }
0xb2: {  	[dreg:$0x1] =	wrdreg $0xFFFFFFFF  }
0xb3: {  	[dreg:$0x0] =	wrdreg $0x60  }
0xb4: {  	[dreg:$0x2] =	wrdreg s24  }
0xb5: {  	[dreg:$0x3] =	wrdreg s16  }
0xb6: {  	[dreg:$0x4] =	wrdreg s17  }
0xb7: {  	[dreg:$0x5] =	wrdreg $0x0  }
0xb8: {  	[dreg:$0x6] =	wrdreg $0x9  }
0xb9: {  	_ =	task.clear_ibuf [dreg:s8], $0x7FFFF;
	_ =	strace $0x90000049  }
0xba: {  	s29 =	simm.s32 $0x9;
	_ =	strace $0x8000004B  }
0xbb: {  	_ =	swait.ge [sflag:s29], $0x1  }
0xbc: {  	[sflag:s29] =	ssyncadd.s32 $0xFFFFFFFF  }
0xbd: {  	_ =	strace $0x9000004B  }
0xbe: {  	_ =	sfence  }
0xbf: {  	s30 =	sld [smem:$0x0];
	_ =	sdelay $0x2  }
0xc0: {  	s31 =	sshll.u32 s1, $0xD;
	s1 =	sshrl.u32 s1, $0x2  }
0xc1: {  	s3 =	sand.u32 $0x4000, s31;
	s1 =	sadd.s32 s1, s30  }
0xc2: {  	s0 =	sor.u32 s3, s0;
	s1 =	sshll.u32 s1, $0x11  }
0xc3: {  	s0 =	sor.u32 s1, s0  }
0xc4: {  	s0 =	sadd.s32 $0x8F2B, s0  }
0xc5: {  	[sflag:s0] =	ssyncadd.remote.s32 $0x1  }
0xc6: {  	_ =	sfence.sel $0xFFFF  }
0xc7: {  	[dreg:$0x0] =	wrdreg $0xFFFFFFFF;
	(pc) =	sbr.abs _section_cstart, $3  }
0xc8: {  	[dreg:$0x1] =	wrdreg $0xFFFFFFFF  }
0xc9: {  	_ =	task.clear_ibuf [dreg:s8], $0x2FFFF;
	_ =	strace $0x9FFFFFFF  }
0xca: {  	(tm) =	ssettm $0x7FFFFFFF  }
0xcb: {  	_ =	shalt  }
tec
execute0_lowered:
.L_overlay_start_1:
0x0: {  	(tag) =	ssettag $0x1  }
0x1: {  	s6 =	rddreg [dreg:$0x0]  }
0x2: {  	s10 =	rddreg [dreg:$0x1]  }
0x3: {  	s2 =	rddreg [dreg:$0x2]  }
0x4: {  	s3 =	rddreg [dreg:$0x3]  }
0x5: {  	s0 =	rddreg [dreg:$0x4]  }
0x6: {  	s1 =	stileid.u32;
	s5 =	srdreg.scid;
	s4 =	simm.s32 $0x0  }
0x7: {  	s16 =	simm.s32 $0x13D00;
	s17 =	simm.s32 $0x1;
	s8 =	smul.u32 $0x2780, s1  }
0x8: {  	s18 =	simm.s32 $0x0;
	s7 =	sand.u32 $0x1, s5;
	s11 =	smul.u32 $0x9E0, s1  }
0x9: {  	[smem:$0x7FF] =	sst s4;
	s5 =	sadd.s32 $0x60400, s6;
	s28 =	smul.u32 $0x4F000, s1  }
0xa: {  	s30 =	sshll.u32 s1, $0x6;
	s9 =	smul.u32 $0x27800, s7;
	_ =	strace $0x8000004A  }
0xb: {  	s29 =	ssub.s32 $0x2, s7;
	s14 =	smul.u32 $0x4F0, s7;
	s12 =	sadd.s32 s11, s6  }
0xc: {  	s13 =	sshrl.u32 s29, $0x1;
	s10 =	sadd.s32 s11, s10;
	s8 =	sadd.s32 s8, s9  }
0xd: {  	s9 =	sshrl.u32 s28, $0x2;
	s13 =	ssub.s32 s29, s13;
	s31 =	sadd.s32 s14, s12  }
0xe: {  	s10 =	sadd.s32 s14, s10;
	s12 =	simm.s32 $0x2;
	s14 =	simm.s32 $0x13C80  }
0xf: {  	s8 =	sadd.s32 s8, s6;
	s15 =	sadd.s32 s9, s3;
	s6 =	sor.u32 $0x1C02, s30  }
0x10: {  	s9 =	sadd.s32 $0x7600, s31;
	s7 =	sadd.s32 $0x87C00, s8;
	s8 =	smax.u32 s13, $0x1  }
0x11: {  	s11 =	sshrl.u32 s15, $0x3;
	s13 =	simm.s32 $0x13C00;
	s15 =	simm.s32 $0x80  }
.LBB2_1:
0x12: {  	[spmem:s11], [sflag:s6] =	dma.local [hbm:s2], $0x2780  }
0x13: {  	_ =	swait.ge [sflag:s12], $0x2780  }
0x14: {  	[sflag:s12] =	ssyncset.done $0x0  }
0x15: {  	[sflag:s12] =	ssyncadd.s32 $0xFFFFD880  }
0x16: {  	s19 =	sadd.s32 $0x0, s10;
	[bflag:$0x0] =	sbarrier.arrive $0xFFFF  }
0x17: {  	[tilespmem:s13], [sflag:$0x2] =	stream.linear.gather [hbm4b:s19+s4], $0x80, $0x38;
	[tilespmem:$0x17D00] =	vst v63  }
0x18: {  	_ =	swait.ge [sflag:s12], $0x80  }
0x19: {  	[sflag:s12] =	ssyncset.done $0x0  }
0x1a: {  	s31 =	sadd.s32 $0x0, s9;
	[sflag:s12] =	ssyncadd.s32 $0xFFFFFF80  }
0x1b: {  	[tilespmem:s14], [sflag:$0x2] =	stream.linear.gather [hbm4b:s31+s4], $0x80, $0x38;
	[tilespmem:$0x17D00] =	vst v63  }
0x1c: {  	_ =	swait.ge [sflag:s12], $0x80  }
0x1d: {  	[sflag:s12] =	ssyncset.done $0x0  }
0x1e: {  	[sflag:s12] =	ssyncadd.s32 $0xFFFFFF80  }
0x1f: {  	[tilespmem:s16], [sflag:$0x1] =	stream.indirect.gather [hbm4b:s5+s15], $0x80, s13, s15, $0xb8;
	[tilespmem:$0x17D00] =	vst v63  }
0x20: {  	_ =	swait.ge [sflag:s17], $0x4000  }
0x21: {  	[sflag:s17] =	ssyncset.done $0x0  }
0x22: {  	[sflag:s17] =	ssyncadd.s32 $0xFFFFC000  }
0x23: {  	[spmem:s3] =	stream.indirect.scatter.add.f32 [tilespmem:s16], [sflag:$0x2], $0x80, s14, s15, $0xb8;
	[tilespmem:$0x17D00] =	vst v63  }
0x24: {  	_ =	swait.ge [sflag:s12], $0x4000  }
0x25: {  	s20 =	simm.s32 $0x20;
	s19 =	simm.s32 $0x10;
	[sflag:s12] =	ssyncset.done $0x0  }
.LBB2_2:
0x26: {  	s21 =	sadd.s32 s19, s10  }
0x27: {  	[sflag:s12] =	ssyncadd.s32 $0xFFFFC000;
	s22 =	smov.u32 s20;
	s23 =	sadd.s32 $0x10, s20  }
0x28: {  	[tilespmem:s13], [sflag:$0x2] =	stream.linear.gather [hbm4b:s21+s4], $0x80, $0x38;
	[tilespmem:$0x17D00] =	vst v63  }
0x29: {  	p0 =	sne.s32 s20, $0x4E0;
	_ =	swait.ge [sflag:s12], $0x80  }
0x2a: {  	[sflag:s12] =	ssyncset.done $0x0  }
0x2b: {  	s20 =	sadd.s32 s19, s9;
	s19 =	smov.u32 s22;
	[sflag:s12] =	ssyncadd.s32 $0xFFFFFF80  }
0x2c: {  	[tilespmem:s14], [sflag:$0x2] =	stream.linear.gather [hbm4b:s20+s4], $0x80, $0x38;
	[tilespmem:$0x17D00] =	vst v63  }
0x2d: {  	_ =	swait.ge [sflag:s12], $0x80  }
0x2e: {  	[sflag:s12] =	ssyncset.done $0x0  }
0x2f: {  	[sflag:s12] =	ssyncadd.s32 $0xFFFFFF80  }
0x30: {  	[tilespmem:s16], [sflag:$0x1] =	stream.indirect.gather [hbm4b:s5+s15], $0x80, s13, s15, $0xb8;
	[tilespmem:$0x17D00] =	vst v63  }
0x31: {  	_ =	swait.ge [sflag:s17], $0x4000  }
.Ltmp0:
0x32: {  	[sflag:s17] =	ssyncset.done $0x0;
	(pc) =	sbr.rel @p0 .LBB2_2-.Ltmp0, $4  }
0x33: {  	[sflag:s17] =	ssyncadd.s32 $0xFFFFC000  }
0x34: {  	[spmem:s3] =	stream.indirect.scatter.add.f32 [tilespmem:s16], [sflag:$0x2], $0x80, s14, s15, $0xb8;
	[tilespmem:$0x17D00] =	vst v63  }
0x35: {  	_ =	swait.ge [sflag:s12], $0x4000  }
0x36: {  	s20 =	smov.u32 s23;
	[sflag:s12] =	ssyncset.done $0x0  }
0x37: {  	s20 =	sadd.s32 s19, s10;
	[sflag:s12] =	ssyncadd.s32 $0xFFFFC000  }
0x38: {  	[tilespmem:s13], [sflag:$0x2] =	stream.linear.gather [hbm4b:s20+s4], $0x80, $0x38;
	[tilespmem:$0x17D00] =	vst v63  }
0x39: {  	_ =	swait.ge [sflag:s12], $0x80  }
0x3a: {  	[sflag:s12] =	ssyncset.done $0x0  }
0x3b: {  	s31 =	sadd.s32 s19, s9;
	[sflag:s12] =	ssyncadd.s32 $0xFFFFFF80  }
0x3c: {  	[tilespmem:s14], [sflag:$0x2] =	stream.linear.gather [hbm4b:s31+s4], $0x80, $0x38;
	[tilespmem:$0x17D00] =	vst v63  }
0x3d: {  	_ =	swait.ge [sflag:s12], $0x80  }
0x3e: {  	[sflag:s12] =	ssyncset.done $0x0  }
0x3f: {  	[sflag:s12] =	ssyncadd.s32 $0xFFFFFF80  }
0x40: {  	[tilespmem:s16], [sflag:$0x1] =	stream.indirect.gather [hbm4b:s5+s15], $0x80, s13, s15, $0xb8;
	[tilespmem:$0x17D00] =	vst v63  }
0x41: {  	_ =	swait.ge [sflag:s17], $0x4000  }
0x42: {  	[sflag:s17] =	ssyncset.done $0x0  }
0x43: {  	[sflag:s17] =	ssyncadd.s32 $0xFFFFC000  }
0x44: {  	[spmem:s3] =	stream.indirect.scatter.add.f32 [tilespmem:s16], [sflag:$0x2], $0x80, s14, s15, $0xb8;
	[tilespmem:$0x17D00] =	vst v63  }
0x45: {  	_ =	swait.ge [sflag:s12], $0x4000  }
0x46: {  	s18 =	sadd.s32 $0x1, s18;
	[sflag:s12] =	ssyncset.done $0x0  }
0x47: {  	p0 =	sne.s32 s18, s8;
	[sflag:s12] =	ssyncadd.s32 $0xFFFFC000  }
.Ltmp1:
0x48: {  	[bflag:$0x0] =	sbarrier.arrive $0xFFFF;
	(pc) =	sbr.rel @p0 .LBB2_1-.Ltmp1, $4  }
0x49: {  	[hbm:s7], [sflag:s6] =	dma.local [spmem:s11], $0x2780  }
0x4a: {  	_ =	swait.ge [sflag:s12], $0x2780  }
0x4b: {  	[sflag:s12] =	ssyncset.done $0x0  }
0x4c: {  	[sflag:s12] =	ssyncadd.s32 $0xFFFFD880  }
0x4d: {  	_ =	sfence.sel $0x180000  }
0x4e: {  	[bflag:$0x0] =	sbarrier.arrive $0xFFFF  }
0x4f: {  	p0 =	sne.s32 s1, $0x0;
	_ =	strace $0x9000004A  }
0x50: {  	s0 =	sadd.s32 @!p0 $0x100000, s0;
	[bflag:$0x2] =	sbarrier.arrive $0xFFFF  }
0x51: {  	[sflag:s0] =	ssyncadd.tile.s32 @!p0 $0x1;
	_ =	shalt  }
.Lfunc_end2:
_tile_overlayer_lowered:
.L_overlay_start_2:
0x52: {  	(tag) =	ssettag $0x2  }
0x53: {  	s0 =	rddreg [dreg:$0x0];
	s2 =	stileid.u32  }
0x54: {  	s1 =	rddreg [dreg:$0x1];
	p0 =	sne.s32 s2, $0x0  }
0x55: {  	s3 =	rddreg [dreg:$0x2];
	[bflag:$0x3] =	sbarrier.arrive $0xFFFF;
	s2 =	simm.s32 @!p0 $0x1C02  }
0x56: {  	[timem:s3], [sflag:s2] =	dma.local @!p0 [hbm:s0], s1  }
0x57: {  	s0 =	simm.s32 @!p0 $0x2  }
0x58: {  	_ =	swait.ge @!p0 [sflag:s0], s1  }
0x59: {  	s1 =	ssub.s32 @!p0 $0x0, s1;
	[sflag:s0] =	ssyncset.done @!p0 $0x0  }
0x5a: {  	[sflag:s0] =	ssyncadd.s32 @!p0 s1  }
0x5b: {  	[bflag:$0x3] =	sbarrier.arrive $0xFFFF  }
0x5c: {  	_ =	shalt  }

// kernel: kernel.21.cloned.1.call-start
scs
__scs_entry_jumppad:
0x0: {  	(pc) =	sbr.rel $0x88, $3  }
0x1: {  	(tag) =	ssettag $0x0;
	lr =	simm.s32 $0x1  }
0x2: {  	[smem:$0x3F94] =	sst lr;
	_ =	strace $0xD0000000  }
0x3: {  	_ = 	snop  }
0x4: {  	_ = 	snop  }
0x5: {  	_ = 	snop  }
0x6: {  	_ = 	snop  }
0x7: {  	_ = 	snop  }
__scs_overlays_trampoline_lowered:
0x8: {  	[smem:$0x3FA3] =	sst s0  }
0x9: {  	[smem:$0x3FA4] =	sst s1  }
0xa: {  	[smem:$0x3FA5] =	sst s2  }
0xb: {  	[smem:$0x3FA6] =	sst s3  }
0xc: {  	[smem:$0x3FA7] =	sst s4  }
0xd: {  	[smem:$0x3FA8] =	sst s5  }
0xe: {  	[smem:$0x3FA9] =	sst s6  }
0xf: {  	[smem:$0x3FAA] =	sst s7  }
0x10: {  	[smem:$0x3FAB] =	sst s8  }
0x11: {  	[smem:$0x3FAC] =	sst s9;
	s0 =	simm.s32 @!p0 $0x0  }
0x12: {  	s1 =	sld [smem:$0x3F92];
	s0 =	simm.s32 @p0 $0x1  }
0x13: {  	[smem:$0x3FAD] =	sst s0;
	s0 =	simm.s32 @!p1 $0x0  }
0x14: {  	s2 =	sld [smem:$0x3F91];
	s0 =	simm.s32 @p1 $0x1  }
0x15: {  	[smem:$0x3FAE] =	sst s0;
	s0 =	simm.s32 @!p2 $0x0  }
0x16: {  	s3 =	sld [smem:$0x3FDB];
	s0 =	simm.s32 @p2 $0x1  }
0x17: {  	s4 =	simm.s32 $0x1BF5;
	[smem:$0x3FB0] =	sst s0  }
0x18: {  	s0 =	sld [smem:$0x3F93];
	_ =	swait.ge [sflag:s4], $0x0  }
0x19: {  	s7 =	sld [smem:$0x3F94]  }
0x1a: {  	s8 =	sadd.s32 $0xFFFFE003, lr  }
0x1b: {  	s9 =	sadd.s32 $0xFFFFFEF7, lr;
	s5 =	simm.s32 $0xFFFFFFFF;
	p2 =	slt.u32 s8, $0xFFFFF086  }
0x1c: {  	p1 =	slt.u32 s9, $0xF7A;
	s5 =	simm.s32 @!p2 $0x0  }
0x1d: {  	s5 =	simm.s32 @p1 $0x1;
	p0 =	seq.s32 s7, s2  }
0x1e: {  	s7 =	smul.u32 @!p0 $0xF7A, s2;
	p2 =	seq.s32 @!p0 s5, $0x0  }
0x1f: {  	s9 =	smul.u32 $0xF7A, s1;
	s8 =	simm.s32 @!p0 $0x1BF5;
	p2 =	por !p2, p0  }
0x20: {  	[sflag:s8] =	ssyncset.s32 @!p0 $0xFFFFF086;
	s6 =	sadd.s32 @!p0 s3, s7;
	s7 =	simm.s32 @!p0 $0x108  }
0x21: {  	s3 =	sadd.s32 s3, s9;
	s6 =	sadd.s32 @!p0 $0x88, s6;
	s7 =	simm.s32 @p2 $0x1082  }
0x22: {  	[simem:s7], [sflag:s8] =	dma.local @!p0 [hbm:s6], $0xF7A  }
0x23: {  	s9 =	sor.u32 $0xD0000000, s2;
	s6 =	simm.s32 $0x108;
	_ =	swait.ge @!p0 [sflag:s8], $0x0  }
0x24: {  	s3 =	sadd.s32 $0x88, s3;
	s6 =	simm.s32 @!p1 $0x1082;
	[sflag:s4] =	ssyncset.s32 $0xFFFFF086  }
0x25: {  	[simem:s6], [sflag:s4] =	dma.local [hbm:s3], $0xF7A  }
0x26: {  	[smem:$0x3F94] =	sst s1;
	(tag) =	ssettag s2;
	_ =	strace s9  }
0x27: {  	s1 =	sld [smem:$0x3FA4]  }
0x28: {  	s2 =	sld [smem:$0x3FA5]  }
0x29: {  	s4 =	sld [smem:$0x3FA7]  }
0x2a: {  	p0 =	seq.s32 s5, $0x0;
	s5 =	sld [smem:$0x3FA8]  }
0x2b: {  	s6 =	sld [smem:$0x3FA9]  }
0x2c: {  	s7 =	sld [smem:$0x3FAA]  }
0x2d: {  	s3 =	simm.s32 $0x108;
	s8 =	sld [smem:$0x3FAB]  }
0x2e: {  	s3 =	simm.s32 @!p0 $0x1082;
	s9 =	sld [smem:$0x3FAC]  }
0x2f: {  	lr =	sadd.s32 s0, s3;
	s0 =	sld [smem:$0x3FA3]  }
0x30: {  	s3 =	sld [smem:$0x3FA6]  }
0x31: {  	[smem:$0x3FAF] =	sst s10  }
0x32: {  	s10 =	sld [smem:$0x3FAD];
	_ =	sdelay $0x3  }
0x33: {  	p0 =	seq.s32 s10, $0x1;
	s10 =	sld [smem:$0x3FAF];
	_ =	sdelay $0x3  }
0x34: {  	[smem:$0x3FAF] =	sst s10  }
0x35: {  	s10 =	sld [smem:$0x3FAE];
	_ =	sdelay $0x3  }
0x36: {  	p1 =	seq.s32 s10, $0x1;
	s10 =	sld [smem:$0x3FAF];
	_ =	sdelay $0x3  }
0x37: {  	[smem:$0x3FAF] =	sst s10  }
0x38: {  	s10 =	sld [smem:$0x3FB0]  }
0x39: {  	_ = 	snop;
	(pc) =	sbr.ind lr, $3  }
0x3a: {  	_ = 	snop  }
0x3b: {  	_ = 	snop  }
0x3c: {  	p2 =	seq.s32 s10, $0x1;
	s10 =	sld [smem:$0x3FAF]  }
0x3d: {  	_ =	shalt  }
0x3e: {  	_ =	shalt  }
0x3f: {  	_ =	shalt  }
0x40: {  	_ =	shalt  }
0x41: {  	_ =	shalt  }
0x42: {  	_ =	shalt  }
0x43: {  	_ =	shalt  }
0x44: {  	_ =	shalt  }
0x45: {  	_ =	shalt  }
0x46: {  	_ =	shalt  }
0x47: {  	_ =	shalt  }
0x48: {  	_ =	shalt  }
0x49: {  	_ =	shalt  }
0x4a: {  	_ =	shalt  }
0x4b: {  	_ =	shalt  }
0x4c: {  	_ =	shalt  }
0x4d: {  	_ =	shalt  }
0x4e: {  	_ =	shalt  }
0x4f: {  	_ =	shalt  }
0x50: {  	_ =	shalt  }
0x51: {  	_ =	shalt  }
0x52: {  	_ =	shalt  }
0x53: {  	_ =	shalt  }
0x54: {  	_ =	shalt  }
0x55: {  	_ =	shalt  }
0x56: {  	_ =	shalt  }
0x57: {  	_ =	shalt  }
0x58: {  	_ =	shalt  }
0x59: {  	_ =	shalt  }
0x5a: {  	_ =	shalt  }
0x5b: {  	_ =	shalt  }
0x5c: {  	_ =	shalt  }
0x5d: {  	_ =	shalt  }
0x5e: {  	_ =	shalt  }
0x5f: {  	_ =	shalt  }
0x60: {  	_ =	shalt  }
0x61: {  	_ =	shalt  }
0x62: {  	_ =	shalt  }
0x63: {  	_ =	shalt  }
0x64: {  	_ =	shalt  }
0x65: {  	_ =	shalt  }
0x66: {  	_ =	shalt  }
0x67: {  	_ =	shalt  }
0x68: {  	_ =	shalt  }
0x69: {  	_ =	shalt  }
0x6a: {  	_ =	shalt  }
0x6b: {  	_ =	shalt  }
0x6c: {  	_ =	shalt  }
0x6d: {  	_ =	shalt  }
0x6e: {  	_ =	shalt  }
0x6f: {  	_ =	shalt  }
0x70: {  	_ =	shalt  }
0x71: {  	_ =	shalt  }
0x72: {  	_ =	shalt  }
0x73: {  	_ =	shalt  }
0x74: {  	_ =	shalt  }
0x75: {  	_ =	shalt  }
0x76: {  	_ =	shalt  }
0x77: {  	_ =	shalt  }
0x78: {  	_ =	shalt  }
0x79: {  	_ =	shalt  }
0x7a: {  	_ =	shalt  }
0x7b: {  	_ =	shalt  }
0x7c: {  	_ =	shalt  }
0x7d: {  	_ =	shalt  }
0x7e: {  	_ =	shalt  }
0x7f: {  	_ =	shalt  }
0x80: {  	_ =	shalt  }
0x81: {  	_ =	shalt  }
0x82: {  	_ =	shalt  }
0x83: {  	_ =	shalt  }
0x84: {  	_ =	shalt  }
0x85: {  	_ =	shalt  }
0x86: {  	_ =	shalt  }
0x87: {  	_ =	shalt  }
.Lfunc_end0:
.L_simem_size_0:
called_computation.2_lowered:
.L_overlay_start_0:
0x88: {  	s2 =	sld [smem:$0x3FD9]  }
0x89: {  	s3 =	sld [smem:$0x3FFE];
	_ =	sdelay $0x1  }
0x8a: {  	s1 =	srdreg.scid  }
0x8b: {  	s0 =	sand.u32 $0x1, s1  }
0x8c: {  	s14 =	sshll.u32 s0, $0xA;
	s2 =	sadd.s32 s3, s2  }
0x8d: {  	s2 =	sadd.s32 s2, s14  }
0x8e: {  	[smem:$0x3FBB] =	sst s2  }
0x8f: {  	_ = 	snop  }
0x90: {  	s2 =	sld [smem:$0x3FD0];
	_ =	sdelay $0x2  }
0x91: {  	s15 =	simm.s32 $0xA;
	s4 =	simm.s32 $0x10  }
0x92: {  	[smem:s4], [sflag:s15] =	dma.local [hbm:s2], $0x1  }
0x93: {  	_ =	swait.eq [sflag:s15], $0x1  }
0x94: {  	[sflag:s15] =	ssyncset.done $0x0  }
0x95: {  	s16 =	sld [smem:$0x10];
	[sflag:s15] =	ssyncadd.s32 $0xFFFFFFFF  }
0x96: {  	s17 =	sld [smem:$0x12];
	(tm) =	ssettm $0x1  }
0x97: {  	s18 =	sld [smem:$0x3FFB];
	_ =	sdelay $0x3  }
0x98: {  	_ =	strace s18  }
0x99: {  	s4 =	sld [smem:$0x3FFC];
	_ =	sdelay $0x3  }
0x9a: {  	_ =	strace s4  }
0x9b: {  	s4 =	sld [smem:$0x3FFD];
	_ =	sdelay $0x3  }
0x9c: {  	_ =	strace s4  }
0x9d: {  	_ =	strace $0x8FFFFFFF  }
0x9e: {  	s19 =	sld [smem:$0x3FDB];
	_ =	sdelay $0x1  }
0x9f: {  	s5 =	simm.s32 $_scs_section_size  }
0xa0: {  	s6 =	simm.s32 $_size__tile_overlayer_lowered;
	s7 =	simm.s32 $_tile_overlayer_lowered  }
0xa1: {  	s22 =	simm.s32 $0x1BFF;
	s21 =	sshll.u32 s7, $0x1;
	s4 =	sadd.s32 s5, s19  }
0xa2: {  	s8 =	simm.s32 $0x0;
	s20 =	sshll.u32 s6, $0x1;
	s6 =	sadd.s32 s21, s4  }
0xa3: {  	[timem:s8], [sflag:s22] =	dma.local [hbm:s6], s20  }
0xa4: {  	_ =	swait.ge [sflag:s22], s20  }
0xa5: {  	s5 =	ssub.s32 $0x0, s20;
	[sflag:s22] =	ssyncset.done $0x0  }
0xa6: {  	[sflag:s22] =	ssyncadd.s32 s5;
	_ =	sdelay $0x1  }
0xa7: {  	s23 =	simm.s32 $0x1B8B  }
0xa8: {  	_ =	swait.ge [sflag:s23], $0x1  }
0xa9: {  	[sflag:s23] =	ssyncset.done $0x0  }
0xaa: {  	s25 =	simm.s32 $0x1B8E;
	s24 =	sld [smem:$0x3FFE];
	[sflag:s23] =	ssyncadd.s32 $0xFFFFFFFF  }
0xab: {  	s26 =	simm.s32 $execute0_lowered;
	[smem:$0x3FD2] =	sst s25  }
0xac: {  	s6 =	sshll.u32 s26, $0x1;
	_ =	strace $0x8000004C;
	[dreg:$0x1] =	wrdreg $0xFFFFFFFF  }
0xad: {  	s28 =	simm.s32 $_size_execute0_lowered;
	s4 =	sadd.s32 s4, s6;
	[dreg:$0x0] =	wrdreg $0x0  }
0xae: {  	s6 =	sshll.u32 s28, $0x1;
	[dreg:$0x2] =	wrdreg s4  }
0xaf: {  	[dreg:$0x3] =	wrdreg s6  }
0xb0: {  	[dreg:$0x4] =	wrdreg $0xC0  }
0xb1: {  	_ =	task [dreg:s8], $0x5FFFF  }
0xb2: {  	[dreg:$0x1] =	wrdreg $0xFFFFFFFF  }
0xb3: {  	[dreg:$0x0] =	wrdreg $0x60  }
0xb4: {  	[dreg:$0x2] =	wrdreg s24  }
0xb5: {  	[dreg:$0x3] =	wrdreg s16  }
0xb6: {  	[dreg:$0x4] =	wrdreg s17  }
0xb7: {  	[dreg:$0x5] =	wrdreg $0x0  }
0xb8: {  	[dreg:$0x6] =	wrdreg $0x9  }
0xb9: {  	_ =	task.clear_ibuf [dreg:s8], $0x7FFFF;
	_ =	strace $0x9000004C  }
0xba: {  	s29 =	simm.s32 $0x9;
	_ =	strace $0x8000004E  }
0xbb: {  	_ =	swait.ge [sflag:s29], $0x1  }
0xbc: {  	[sflag:s29] =	ssyncadd.s32 $0xFFFFFFFF  }
0xbd: {  	_ =	strace $0x9000004E  }
0xbe: {  	_ =	sfence  }
0xbf: {  	s30 =	sld [smem:$0x0];
	_ =	sdelay $0x2  }
0xc0: {  	s31 =	sshll.u32 s1, $0xD;
	s1 =	sshrl.u32 s1, $0x2  }
0xc1: {  	s3 =	sand.u32 $0x4000, s31;
	s1 =	sadd.s32 s1, s30  }
0xc2: {  	s0 =	sor.u32 s3, s0;
	s1 =	sshll.u32 s1, $0x11  }
0xc3: {  	s0 =	sor.u32 s1, s0  }
0xc4: {  	s0 =	sadd.s32 $0x8F2B, s0  }
0xc5: {  	[sflag:s0] =	ssyncadd.remote.s32 $0x1  }
0xc6: {  	_ =	sfence.sel $0xFFFF  }
0xc7: {  	[dreg:$0x0] =	wrdreg $0xFFFFFFFF;
	(pc) =	sbr.abs _section_cstart, $3  }
0xc8: {  	[dreg:$0x1] =	wrdreg $0xFFFFFFFF  }
0xc9: {  	_ =	task.clear_ibuf [dreg:s8], $0x2FFFF;
	_ =	strace $0x9FFFFFFF  }
0xca: {  	(tm) =	ssettm $0x7FFFFFFF  }
0xcb: {  	_ =	shalt  }
tec
execute0_lowered:
.L_overlay_start_1:
0x0: {  	(tag) =	ssettag $0x1  }
0x1: {  	s6 =	rddreg [dreg:$0x0]  }
0x2: {  	s10 =	rddreg [dreg:$0x1]  }
0x3: {  	s2 =	rddreg [dreg:$0x2]  }
0x4: {  	s3 =	rddreg [dreg:$0x3]  }
0x5: {  	s0 =	rddreg [dreg:$0x4]  }
0x6: {  	s1 =	stileid.u32;
	s5 =	srdreg.scid;
	s4 =	simm.s32 $0x0  }
0x7: {  	s16 =	simm.s32 $0x13D00;
	s17 =	simm.s32 $0x1;
	s8 =	smul.u32 $0x2780, s1  }
0x8: {  	s18 =	simm.s32 $0x0;
	s7 =	sand.u32 $0x1, s5;
	s11 =	smul.u32 $0x9E0, s1  }
0x9: {  	[smem:$0x7FF] =	sst s4;
	s5 =	sadd.s32 $0x60400, s6;
	s28 =	smul.u32 $0x4F000, s1  }
0xa: {  	s30 =	sshll.u32 s1, $0x6;
	s9 =	smul.u32 $0x27800, s7;
	_ =	strace $0x8000004D  }
0xb: {  	s29 =	ssub.s32 $0x2, s7;
	s14 =	smul.u32 $0x4F0, s7;
	s12 =	sadd.s32 s11, s6  }
0xc: {  	s13 =	sshrl.u32 s29, $0x1;
	s10 =	sadd.s32 s11, s10;
	s8 =	sadd.s32 s8, s9  }
0xd: {  	s9 =	sshrl.u32 s28, $0x2;
	s13 =	ssub.s32 s29, s13;
	s31 =	sadd.s32 s14, s12  }
0xe: {  	s10 =	sadd.s32 s14, s10;
	s12 =	simm.s32 $0x2;
	s14 =	simm.s32 $0x13C80  }
0xf: {  	s8 =	sadd.s32 s8, s6;
	s15 =	sadd.s32 s9, s3;
	s6 =	sor.u32 $0x1C02, s30  }
0x10: {  	s9 =	sadd.s32 $0x7600, s31;
	s7 =	sadd.s32 $0x87C00, s8;
	s8 =	smax.u32 s13, $0x1  }
0x11: {  	s11 =	sshrl.u32 s15, $0x3;
	s13 =	simm.s32 $0x13C00;
	s15 =	simm.s32 $0x80  }
.LBB2_1:
0x12: {  	[spmem:s11], [sflag:s6] =	dma.local [hbm:s2], $0x2780  }
0x13: {  	_ =	swait.ge [sflag:s12], $0x2780  }
0x14: {  	[sflag:s12] =	ssyncset.done $0x0  }
0x15: {  	[sflag:s12] =	ssyncadd.s32 $0xFFFFD880  }
0x16: {  	s19 =	sadd.s32 $0x0, s10;
	[bflag:$0x0] =	sbarrier.arrive $0xFFFF  }
0x17: {  	[tilespmem:s13], [sflag:$0x2] =	stream.linear.gather [hbm4b:s19+s4], $0x80, $0x38;
	[tilespmem:$0x17D00] =	vst v63  }
0x18: {  	_ =	swait.ge [sflag:s12], $0x80  }
0x19: {  	[sflag:s12] =	ssyncset.done $0x0  }
0x1a: {  	s31 =	sadd.s32 $0x0, s9;
	[sflag:s12] =	ssyncadd.s32 $0xFFFFFF80  }
0x1b: {  	[tilespmem:s14], [sflag:$0x2] =	stream.linear.gather [hbm4b:s31+s4], $0x80, $0x38;
	[tilespmem:$0x17D00] =	vst v63  }
0x1c: {  	_ =	swait.ge [sflag:s12], $0x80  }
0x1d: {  	[sflag:s12] =	ssyncset.done $0x0  }
0x1e: {  	[sflag:s12] =	ssyncadd.s32 $0xFFFFFF80  }
0x1f: {  	[tilespmem:s16], [sflag:$0x1] =	stream.indirect.gather [hbm4b:s5+s15], $0x80, s13, s15, $0xb8;
	[tilespmem:$0x17D00] =	vst v63  }
0x20: {  	_ =	swait.ge [sflag:s17], $0x4000  }
0x21: {  	[sflag:s17] =	ssyncset.done $0x0  }
0x22: {  	[sflag:s17] =	ssyncadd.s32 $0xFFFFC000  }
0x23: {  	[spmem:s3] =	stream.indirect.scatter.add.f32 [tilespmem:s16], [sflag:$0x2], $0x80, s14, s15, $0xb8;
	[tilespmem:$0x17D00] =	vst v63  }
0x24: {  	_ =	swait.ge [sflag:s12], $0x4000  }
0x25: {  	s20 =	simm.s32 $0x20;
	s19 =	simm.s32 $0x10;
	[sflag:s12] =	ssyncset.done $0x0  }
.LBB2_2:
0x26: {  	s21 =	sadd.s32 s19, s10  }
0x27: {  	[sflag:s12] =	ssyncadd.s32 $0xFFFFC000;
	s22 =	smov.u32 s20;
	s23 =	sadd.s32 $0x10, s20  }
0x28: {  	[tilespmem:s13], [sflag:$0x2] =	stream.linear.gather [hbm4b:s21+s4], $0x80, $0x38;
	[tilespmem:$0x17D00] =	vst v63  }
0x29: {  	p0 =	sne.s32 s20, $0x4E0;
	_ =	swait.ge [sflag:s12], $0x80  }
0x2a: {  	[sflag:s12] =	ssyncset.done $0x0  }
0x2b: {  	s20 =	sadd.s32 s19, s9;
	s19 =	smov.u32 s22;
	[sflag:s12] =	ssyncadd.s32 $0xFFFFFF80  }
0x2c: {  	[tilespmem:s14], [sflag:$0x2] =	stream.linear.gather [hbm4b:s20+s4], $0x80, $0x38;
	[tilespmem:$0x17D00] =	vst v63  }
0x2d: {  	_ =	swait.ge [sflag:s12], $0x80  }
0x2e: {  	[sflag:s12] =	ssyncset.done $0x0  }
0x2f: {  	[sflag:s12] =	ssyncadd.s32 $0xFFFFFF80  }
0x30: {  	[tilespmem:s16], [sflag:$0x1] =	stream.indirect.gather [hbm4b:s5+s15], $0x80, s13, s15, $0xb8;
	[tilespmem:$0x17D00] =	vst v63  }
0x31: {  	_ =	swait.ge [sflag:s17], $0x4000  }
.Ltmp0:
0x32: {  	[sflag:s17] =	ssyncset.done $0x0;
	(pc) =	sbr.rel @p0 .LBB2_2-.Ltmp0, $4  }
0x33: {  	[sflag:s17] =	ssyncadd.s32 $0xFFFFC000  }
0x34: {  	[spmem:s3] =	stream.indirect.scatter.add.f32 [tilespmem:s16], [sflag:$0x2], $0x80, s14, s15, $0xb8;
	[tilespmem:$0x17D00] =	vst v63  }
0x35: {  	_ =	swait.ge [sflag:s12], $0x4000  }
0x36: {  	s20 =	smov.u32 s23;
	[sflag:s12] =	ssyncset.done $0x0  }
0x37: {  	s20 =	sadd.s32 s19, s10;
	[sflag:s12] =	ssyncadd.s32 $0xFFFFC000  }
0x38: {  	[tilespmem:s13], [sflag:$0x2] =	stream.linear.gather [hbm4b:s20+s4], $0x80, $0x38;
	[tilespmem:$0x17D00] =	vst v63  }
0x39: {  	_ =	swait.ge [sflag:s12], $0x80  }
0x3a: {  	[sflag:s12] =	ssyncset.done $0x0  }
0x3b: {  	s31 =	sadd.s32 s19, s9;
	[sflag:s12] =	ssyncadd.s32 $0xFFFFFF80  }
0x3c: {  	[tilespmem:s14], [sflag:$0x2] =	stream.linear.gather [hbm4b:s31+s4], $0x80, $0x38;
	[tilespmem:$0x17D00] =	vst v63  }
0x3d: {  	_ =	swait.ge [sflag:s12], $0x80  }
0x3e: {  	[sflag:s12] =	ssyncset.done $0x0  }
0x3f: {  	[sflag:s12] =	ssyncadd.s32 $0xFFFFFF80  }
0x40: {  	[tilespmem:s16], [sflag:$0x1] =	stream.indirect.gather [hbm4b:s5+s15], $0x80, s13, s15, $0xb8;
	[tilespmem:$0x17D00] =	vst v63  }
0x41: {  	_ =	swait.ge [sflag:s17], $0x4000  }
0x42: {  	[sflag:s17] =	ssyncset.done $0x0  }
0x43: {  	[sflag:s17] =	ssyncadd.s32 $0xFFFFC000  }
0x44: {  	[spmem:s3] =	stream.indirect.scatter.add.f32 [tilespmem:s16], [sflag:$0x2], $0x80, s14, s15, $0xb8;
	[tilespmem:$0x17D00] =	vst v63  }
0x45: {  	_ =	swait.ge [sflag:s12], $0x4000  }
0x46: {  	s18 =	sadd.s32 $0x1, s18;
	[sflag:s12] =	ssyncset.done $0x0  }
0x47: {  	p0 =	sne.s32 s18, s8;
	[sflag:s12] =	ssyncadd.s32 $0xFFFFC000  }
.Ltmp1:
0x48: {  	[bflag:$0x0] =	sbarrier.arrive $0xFFFF;
	(pc) =	sbr.rel @p0 .LBB2_1-.Ltmp1, $4  }
0x49: {  	[hbm:s7], [sflag:s6] =	dma.local [spmem:s11], $0x2780  }
0x4a: {  	_ =	swait.ge [sflag:s12], $0x2780  }
0x4b: {  	[sflag:s12] =	ssyncset.done $0x0  }
0x4c: {  	[sflag:s12] =	ssyncadd.s32 $0xFFFFD880  }
0x4d: {  	_ =	sfence.sel $0x180000  }
0x4e: {  	[bflag:$0x0] =	sbarrier.arrive $0xFFFF  }
0x4f: {  	p0 =	sne.s32 s1, $0x0;
	_ =	strace $0x9000004D  }
0x50: {  	s0 =	sadd.s32 @!p0 $0x100000, s0;
	[bflag:$0x2] =	sbarrier.arrive $0xFFFF  }
0x51: {  	[sflag:s0] =	ssyncadd.tile.s32 @!p0 $0x1;
	_ =	shalt  }
.Lfunc_end2:
_tile_overlayer_lowered:
.L_overlay_start_2:
0x52: {  	(tag) =	ssettag $0x2  }
0x53: {  	s0 =	rddreg [dreg:$0x0];
	s2 =	stileid.u32  }
0x54: {  	s1 =	rddreg [dreg:$0x1];
	p0 =	sne.s32 s2, $0x0  }
0x55: {  	s3 =	rddreg [dreg:$0x2];
	[bflag:$0x3] =	sbarrier.arrive $0xFFFF;
	s2 =	simm.s32 @!p0 $0x1C02  }
0x56: {  	[timem:s3], [sflag:s2] =	dma.local @!p0 [hbm:s0], s1  }
0x57: {  	s0 =	simm.s32 @!p0 $0x2  }
0x58: {  	_ =	swait.ge @!p0 [sflag:s0], s1  }
0x59: {  	s1 =	ssub.s32 @!p0 $0x0, s1;
	[sflag:s0] =	ssyncset.done @!p0 $0x0  }
0x5a: {  	[sflag:s0] =	ssyncadd.s32 @!p0 s1  }
0x5b: {  	[bflag:$0x3] =	sbarrier.arrive $0xFFFF  }
0x5c: {  	_ =	shalt  }

// kernel: kernel.24.cloned.1.call-start
scs
__scs_entry_jumppad:
0x0: {  	(pc) =	sbr.rel $0x88, $3  }
0x1: {  	(tag) =	ssettag $0x0;
	lr =	simm.s32 $0x1  }
0x2: {  	[smem:$0x3F94] =	sst lr;
	_ =	strace $0xD0000000  }
0x3: {  	_ = 	snop  }
0x4: {  	_ = 	snop  }
0x5: {  	_ = 	snop  }
0x6: {  	_ = 	snop  }
0x7: {  	_ = 	snop  }
__scs_overlays_trampoline_lowered:
0x8: {  	[smem:$0x3FA3] =	sst s0  }
0x9: {  	[smem:$0x3FA4] =	sst s1  }
0xa: {  	[smem:$0x3FA5] =	sst s2  }
0xb: {  	[smem:$0x3FA6] =	sst s3  }
0xc: {  	[smem:$0x3FA7] =	sst s4  }
0xd: {  	[smem:$0x3FA8] =	sst s5  }
0xe: {  	[smem:$0x3FA9] =	sst s6  }
0xf: {  	[smem:$0x3FAA] =	sst s7  }
0x10: {  	[smem:$0x3FAB] =	sst s8  }
0x11: {  	[smem:$0x3FAC] =	sst s9;
	s0 =	simm.s32 @!p0 $0x0  }
0x12: {  	s1 =	sld [smem:$0x3F92];
	s0 =	simm.s32 @p0 $0x1  }
0x13: {  	[smem:$0x3FAD] =	sst s0;
	s0 =	simm.s32 @!p1 $0x0  }
0x14: {  	s2 =	sld [smem:$0x3F91];
	s0 =	simm.s32 @p1 $0x1  }
0x15: {  	[smem:$0x3FAE] =	sst s0;
	s0 =	simm.s32 @!p2 $0x0  }
0x16: {  	s3 =	sld [smem:$0x3FDB];
	s0 =	simm.s32 @p2 $0x1  }
0x17: {  	s4 =	simm.s32 $0x1BF5;
	[smem:$0x3FB0] =	sst s0  }
0x18: {  	s0 =	sld [smem:$0x3F93];
	_ =	swait.ge [sflag:s4], $0x0  }
0x19: {  	s7 =	sld [smem:$0x3F94]  }
0x1a: {  	s8 =	sadd.s32 $0xFFFFE003, lr  }
0x1b: {  	s9 =	sadd.s32 $0xFFFFFEF7, lr;
	s5 =	simm.s32 $0xFFFFFFFF;
	p2 =	slt.u32 s8, $0xFFFFF086  }
0x1c: {  	p1 =	slt.u32 s9, $0xF7A;
	s5 =	simm.s32 @!p2 $0x0  }
0x1d: {  	s5 =	simm.s32 @p1 $0x1;
	p0 =	seq.s32 s7, s2  }
0x1e: {  	s7 =	smul.u32 @!p0 $0xF7A, s2;
	p2 =	seq.s32 @!p0 s5, $0x0  }
0x1f: {  	s9 =	smul.u32 $0xF7A, s1;
	s8 =	simm.s32 @!p0 $0x1BF5;
	p2 =	por !p2, p0  }
0x20: {  	[sflag:s8] =	ssyncset.s32 @!p0 $0xFFFFF086;
	s6 =	sadd.s32 @!p0 s3, s7;
	s7 =	simm.s32 @!p0 $0x108  }
0x21: {  	s3 =	sadd.s32 s3, s9;
	s6 =	sadd.s32 @!p0 $0x88, s6;
	s7 =	simm.s32 @p2 $0x1082  }
0x22: {  	[simem:s7], [sflag:s8] =	dma.local @!p0 [hbm:s6], $0xF7A  }
0x23: {  	s9 =	sor.u32 $0xD0000000, s2;
	s6 =	simm.s32 $0x108;
	_ =	swait.ge @!p0 [sflag:s8], $0x0  }
0x24: {  	s3 =	sadd.s32 $0x88, s3;
	s6 =	simm.s32 @!p1 $0x1082;
	[sflag:s4] =	ssyncset.s32 $0xFFFFF086  }
0x25: {  	[simem:s6], [sflag:s4] =	dma.local [hbm:s3], $0xF7A  }
0x26: {  	[smem:$0x3F94] =	sst s1;
	(tag) =	ssettag s2;
	_ =	strace s9  }
0x27: {  	s1 =	sld [smem:$0x3FA4]  }
0x28: {  	s2 =	sld [smem:$0x3FA5]  }
0x29: {  	s4 =	sld [smem:$0x3FA7]  }
0x2a: {  	p0 =	seq.s32 s5, $0x0;
	s5 =	sld [smem:$0x3FA8]  }
0x2b: {  	s6 =	sld [smem:$0x3FA9]  }
0x2c: {  	s7 =	sld [smem:$0x3FAA]  }
0x2d: {  	s3 =	simm.s32 $0x108;
	s8 =	sld [smem:$0x3FAB]  }
0x2e: {  	s3 =	simm.s32 @!p0 $0x1082;
	s9 =	sld [smem:$0x3FAC]  }
0x2f: {  	lr =	sadd.s32 s0, s3;
	s0 =	sld [smem:$0x3FA3]  }
0x30: {  	s3 =	sld [smem:$0x3FA6]  }
0x31: {  	[smem:$0x3FAF] =	sst s10  }
0x32: {  	s10 =	sld [smem:$0x3FAD];
	_ =	sdelay $0x3  }
0x33: {  	p0 =	seq.s32 s10, $0x1;
	s10 =	sld [smem:$0x3FAF];
	_ =	sdelay $0x3  }
0x34: {  	[smem:$0x3FAF] =	sst s10  }
0x35: {  	s10 =	sld [smem:$0x3FAE];
	_ =	sdelay $0x3  }
0x36: {  	p1 =	seq.s32 s10, $0x1;
	s10 =	sld [smem:$0x3FAF];
	_ =	sdelay $0x3  }
0x37: {  	[smem:$0x3FAF] =	sst s10  }
0x38: {  	s10 =	sld [smem:$0x3FB0]  }
0x39: {  	_ = 	snop;
	(pc) =	sbr.ind lr, $3  }
0x3a: {  	_ = 	snop  }
0x3b: {  	_ = 	snop  }
0x3c: {  	p2 =	seq.s32 s10, $0x1;
	s10 =	sld [smem:$0x3FAF]  }
0x3d: {  	_ =	shalt  }
0x3e: {  	_ =	shalt  }
0x3f: {  	_ =	shalt  }
0x40: {  	_ =	shalt  }
0x41: {  	_ =	shalt  }
0x42: {  	_ =	shalt  }
0x43: {  	_ =	shalt  }
0x44: {  	_ =	shalt  }
0x45: {  	_ =	shalt  }
0x46: {  	_ =	shalt  }
0x47: {  	_ =	shalt  }
0x48: {  	_ =	shalt  }
0x49: {  	_ =	shalt  }
0x4a: {  	_ =	shalt  }
0x4b: {  	_ =	shalt  }
0x4c: {  	_ =	shalt  }
0x4d: {  	_ =	shalt  }
0x4e: {  	_ =	shalt  }
0x4f: {  	_ =	shalt  }
0x50: {  	_ =	shalt  }
0x51: {  	_ =	shalt  }
0x52: {  	_ =	shalt  }
0x53: {  	_ =	shalt  }
0x54: {  	_ =	shalt  }
0x55: {  	_ =	shalt  }
0x56: {  	_ =	shalt  }
0x57: {  	_ =	shalt  }
0x58: {  	_ =	shalt  }
0x59: {  	_ =	shalt  }
0x5a: {  	_ =	shalt  }
0x5b: {  	_ =	shalt  }
0x5c: {  	_ =	shalt  }
0x5d: {  	_ =	shalt  }
0x5e: {  	_ =	shalt  }
0x5f: {  	_ =	shalt  }
0x60: {  	_ =	shalt  }
0x61: {  	_ =	shalt  }
0x62: {  	_ =	shalt  }
0x63: {  	_ =	shalt  }
0x64: {  	_ =	shalt  }
0x65: {  	_ =	shalt  }
0x66: {  	_ =	shalt  }
0x67: {  	_ =	shalt  }
0x68: {  	_ =	shalt  }
0x69: {  	_ =	shalt  }
0x6a: {  	_ =	shalt  }
0x6b: {  	_ =	shalt  }
0x6c: {  	_ =	shalt  }
0x6d: {  	_ =	shalt  }
0x6e: {  	_ =	shalt  }
0x6f: {  	_ =	shalt  }
0x70: {  	_ =	shalt  }
0x71: {  	_ =	shalt  }
0x72: {  	_ =	shalt  }
0x73: {  	_ =	shalt  }
0x74: {  	_ =	shalt  }
0x75: {  	_ =	shalt  }
0x76: {  	_ =	shalt  }
0x77: {  	_ =	shalt  }
0x78: {  	_ =	shalt  }
0x79: {  	_ =	shalt  }
0x7a: {  	_ =	shalt  }
0x7b: {  	_ =	shalt  }
0x7c: {  	_ =	shalt  }
0x7d: {  	_ =	shalt  }
0x7e: {  	_ =	shalt  }
0x7f: {  	_ =	shalt  }
0x80: {  	_ =	shalt  }
0x81: {  	_ =	shalt  }
0x82: {  	_ =	shalt  }
0x83: {  	_ =	shalt  }
0x84: {  	_ =	shalt  }
0x85: {  	_ =	shalt  }
0x86: {  	_ =	shalt  }
0x87: {  	_ =	shalt  }
.Lfunc_end0:
.L_simem_size_0:
called_computation.3_lowered:
.L_overlay_start_0:
0x88: {  	s2 =	sld [smem:$0x3FD9]  }
0x89: {  	s3 =	sld [smem:$0x3FFE];
	_ =	sdelay $0x1  }
0x8a: {  	s1 =	srdreg.scid  }
0x8b: {  	s0 =	sand.u32 $0x1, s1  }
0x8c: {  	s14 =	sshll.u32 s0, $0xA;
	s2 =	sadd.s32 s3, s2  }
0x8d: {  	s2 =	sadd.s32 s2, s14  }
0x8e: {  	[smem:$0x3FBB] =	sst s2  }
0x8f: {  	_ = 	snop  }
0x90: {  	s2 =	sld [smem:$0x3FD0];
	_ =	sdelay $0x2  }
0x91: {  	s15 =	simm.s32 $0xA;
	s4 =	simm.s32 $0x10  }
0x92: {  	[smem:s4], [sflag:s15] =	dma.local [hbm:s2], $0x1  }
0x93: {  	_ =	swait.eq [sflag:s15], $0x1  }
0x94: {  	[sflag:s15] =	ssyncset.done $0x0  }
0x95: {  	s16 =	sld [smem:$0x10];
	[sflag:s15] =	ssyncadd.s32 $0xFFFFFFFF  }
0x96: {  	s17 =	sld [smem:$0x12];
	(tm) =	ssettm $0x1  }
0x97: {  	s18 =	sld [smem:$0x3FFB];
	_ =	sdelay $0x3  }
0x98: {  	_ =	strace s18  }
0x99: {  	s4 =	sld [smem:$0x3FFC];
	_ =	sdelay $0x3  }
0x9a: {  	_ =	strace s4  }
0x9b: {  	s4 =	sld [smem:$0x3FFD];
	_ =	sdelay $0x3  }
0x9c: {  	_ =	strace s4  }
0x9d: {  	_ =	strace $0x8FFFFFFF  }
0x9e: {  	s19 =	sld [smem:$0x3FDB];
	_ =	sdelay $0x1  }
0x9f: {  	s5 =	simm.s32 $_scs_section_size  }
0xa0: {  	s6 =	simm.s32 $_size__tile_overlayer_lowered;
	s7 =	simm.s32 $_tile_overlayer_lowered  }
0xa1: {  	s22 =	simm.s32 $0x1BFF;
	s21 =	sshll.u32 s7, $0x1;
	s4 =	sadd.s32 s5, s19  }
0xa2: {  	s8 =	simm.s32 $0x0;
	s20 =	sshll.u32 s6, $0x1;
	s6 =	sadd.s32 s21, s4  }
0xa3: {  	[timem:s8], [sflag:s22] =	dma.local [hbm:s6], s20  }
0xa4: {  	_ =	swait.ge [sflag:s22], s20  }
0xa5: {  	s5 =	ssub.s32 $0x0, s20;
	[sflag:s22] =	ssyncset.done $0x0  }
0xa6: {  	[sflag:s22] =	ssyncadd.s32 s5;
	_ =	sdelay $0x1  }
0xa7: {  	s23 =	simm.s32 $0x1B8B  }
0xa8: {  	_ =	swait.ge [sflag:s23], $0x1  }
0xa9: {  	[sflag:s23] =	ssyncset.done $0x0  }
0xaa: {  	s25 =	simm.s32 $0x1B8E;
	s24 =	sld [smem:$0x3FFE];
	[sflag:s23] =	ssyncadd.s32 $0xFFFFFFFF  }
0xab: {  	s26 =	simm.s32 $execute0_lowered;
	[smem:$0x3FD2] =	sst s25  }
0xac: {  	s6 =	sshll.u32 s26, $0x1;
	_ =	strace $0x8000004F;
	[dreg:$0x1] =	wrdreg $0xFFFFFFFF  }
0xad: {  	s28 =	simm.s32 $_size_execute0_lowered;
	s4 =	sadd.s32 s4, s6;
	[dreg:$0x0] =	wrdreg $0x0  }
0xae: {  	s6 =	sshll.u32 s28, $0x1;
	[dreg:$0x2] =	wrdreg s4  }
0xaf: {  	[dreg:$0x3] =	wrdreg s6  }
0xb0: {  	[dreg:$0x4] =	wrdreg $0xC0  }
0xb1: {  	_ =	task [dreg:s8], $0x5FFFF  }
0xb2: {  	[dreg:$0x1] =	wrdreg $0xFFFFFFFF  }
0xb3: {  	[dreg:$0x0] =	wrdreg $0x60  }
0xb4: {  	[dreg:$0x2] =	wrdreg s24  }
0xb5: {  	[dreg:$0x3] =	wrdreg s16  }
0xb6: {  	[dreg:$0x4] =	wrdreg s17  }
0xb7: {  	[dreg:$0x5] =	wrdreg $0x0  }
0xb8: {  	[dreg:$0x6] =	wrdreg $0x9  }
0xb9: {  	_ =	task.clear_ibuf [dreg:s8], $0x7FFFF;
	_ =	strace $0x9000004F  }
0xba: {  	s29 =	simm.s32 $0x9;
	_ =	strace $0x80000051  }
0xbb: {  	_ =	swait.ge [sflag:s29], $0x1  }
0xbc: {  	[sflag:s29] =	ssyncadd.s32 $0xFFFFFFFF  }
0xbd: {  	_ =	strace $0x90000051  }
0xbe: {  	_ =	sfence  }
0xbf: {  	s30 =	sld [smem:$0x0];
	_ =	sdelay $0x2  }
0xc0: {  	s31 =	sshll.u32 s1, $0xD;
	s1 =	sshrl.u32 s1, $0x2  }
0xc1: {  	s3 =	sand.u32 $0x4000, s31;
	s1 =	sadd.s32 s1, s30  }
0xc2: {  	s0 =	sor.u32 s3, s0;
	s1 =	sshll.u32 s1, $0x11  }
0xc3: {  	s0 =	sor.u32 s1, s0  }
0xc4: {  	s0 =	sadd.s32 $0x8F2B, s0  }
0xc5: {  	[sflag:s0] =	ssyncadd.remote.s32 $0x1  }
0xc6: {  	_ =	sfence.sel $0xFFFF  }
0xc7: {  	[dreg:$0x0] =	wrdreg $0xFFFFFFFF;
	(pc) =	sbr.abs _section_cstart, $3  }
0xc8: {  	[dreg:$0x1] =	wrdreg $0xFFFFFFFF  }
0xc9: {  	_ =	task.clear_ibuf [dreg:s8], $0x2FFFF;
	_ =	strace $0x9FFFFFFF  }
0xca: {  	(tm) =	ssettm $0x7FFFFFFF  }
0xcb: {  	_ =	shalt  }
tec
execute0_lowered:
.L_overlay_start_1:
0x0: {  	(tag) =	ssettag $0x1  }
0x1: {  	s6 =	rddreg [dreg:$0x0]  }
0x2: {  	s10 =	rddreg [dreg:$0x1]  }
0x3: {  	s2 =	rddreg [dreg:$0x2]  }
0x4: {  	s3 =	rddreg [dreg:$0x3]  }
0x5: {  	s0 =	rddreg [dreg:$0x4]  }
0x6: {  	s1 =	stileid.u32;
	s5 =	srdreg.scid;
	s4 =	simm.s32 $0x0  }
0x7: {  	s16 =	simm.s32 $0x13D00;
	s17 =	simm.s32 $0x1;
	s8 =	smul.u32 $0x2780, s1  }
0x8: {  	s18 =	simm.s32 $0x0;
	s7 =	sand.u32 $0x1, s5;
	s11 =	smul.u32 $0x9E0, s1  }
0x9: {  	[smem:$0x7FF] =	sst s4;
	s5 =	sadd.s32 $0x60400, s6;
	s28 =	smul.u32 $0x4F000, s1  }
0xa: {  	s30 =	sshll.u32 s1, $0x6;
	s9 =	smul.u32 $0x27800, s7;
	_ =	strace $0x80000050  }
0xb: {  	s29 =	ssub.s32 $0x2, s7;
	s14 =	smul.u32 $0x4F0, s7;
	s12 =	sadd.s32 s11, s6  }
0xc: {  	s13 =	sshrl.u32 s29, $0x1;
	s10 =	sadd.s32 s11, s10;
	s8 =	sadd.s32 s8, s9  }
0xd: {  	s9 =	sshrl.u32 s28, $0x2;
	s13 =	ssub.s32 s29, s13;
	s31 =	sadd.s32 s14, s12  }
0xe: {  	s10 =	sadd.s32 s14, s10;
	s12 =	simm.s32 $0x2;
	s14 =	simm.s32 $0x13C80  }
0xf: {  	s8 =	sadd.s32 s8, s6;
	s15 =	sadd.s32 s9, s3;
	s6 =	sor.u32 $0x1C02, s30  }
0x10: {  	s9 =	sadd.s32 $0x7600, s31;
	s7 =	sadd.s32 $0x87C00, s8;
	s8 =	smax.u32 s13, $0x1  }
0x11: {  	s11 =	sshrl.u32 s15, $0x3;
	s13 =	simm.s32 $0x13C00;
	s15 =	simm.s32 $0x80  }
.LBB2_1:
0x12: {  	[spmem:s11], [sflag:s6] =	dma.local [hbm:s2], $0x2780  }
0x13: {  	_ =	swait.ge [sflag:s12], $0x2780  }
0x14: {  	[sflag:s12] =	ssyncset.done $0x0  }
0x15: {  	[sflag:s12] =	ssyncadd.s32 $0xFFFFD880  }
0x16: {  	s19 =	sadd.s32 $0x0, s10;
	[bflag:$0x0] =	sbarrier.arrive $0xFFFF  }
0x17: {  	[tilespmem:s13], [sflag:$0x2] =	stream.linear.gather [hbm4b:s19+s4], $0x80, $0x38;
	[tilespmem:$0x17D00] =	vst v63  }
0x18: {  	_ =	swait.ge [sflag:s12], $0x80  }
0x19: {  	[sflag:s12] =	ssyncset.done $0x0  }
0x1a: {  	s31 =	sadd.s32 $0x0, s9;
	[sflag:s12] =	ssyncadd.s32 $0xFFFFFF80  }
0x1b: {  	[tilespmem:s14], [sflag:$0x2] =	stream.linear.gather [hbm4b:s31+s4], $0x80, $0x38;
	[tilespmem:$0x17D00] =	vst v63  }
0x1c: {  	_ =	swait.ge [sflag:s12], $0x80  }
0x1d: {  	[sflag:s12] =	ssyncset.done $0x0  }
0x1e: {  	[sflag:s12] =	ssyncadd.s32 $0xFFFFFF80  }
0x1f: {  	[tilespmem:s16], [sflag:$0x1] =	stream.indirect.gather [hbm4b:s5+s15], $0x80, s13, s15, $0xb8;
	[tilespmem:$0x17D00] =	vst v63  }
0x20: {  	_ =	swait.ge [sflag:s17], $0x4000  }
0x21: {  	[sflag:s17] =	ssyncset.done $0x0  }
0x22: {  	[sflag:s17] =	ssyncadd.s32 $0xFFFFC000  }
0x23: {  	[spmem:s3] =	stream.indirect.scatter.add.f32 [tilespmem:s16], [sflag:$0x2], $0x80, s14, s15, $0xb8;
	[tilespmem:$0x17D00] =	vst v63  }
0x24: {  	_ =	swait.ge [sflag:s12], $0x4000  }
0x25: {  	s20 =	simm.s32 $0x20;
	s19 =	simm.s32 $0x10;
	[sflag:s12] =	ssyncset.done $0x0  }
.LBB2_2:
0x26: {  	s21 =	sadd.s32 s19, s10  }
0x27: {  	[sflag:s12] =	ssyncadd.s32 $0xFFFFC000;
	s22 =	smov.u32 s20;
	s23 =	sadd.s32 $0x10, s20  }
0x28: {  	[tilespmem:s13], [sflag:$0x2] =	stream.linear.gather [hbm4b:s21+s4], $0x80, $0x38;
	[tilespmem:$0x17D00] =	vst v63  }
0x29: {  	p0 =	sne.s32 s20, $0x4E0;
	_ =	swait.ge [sflag:s12], $0x80  }
0x2a: {  	[sflag:s12] =	ssyncset.done $0x0  }
0x2b: {  	s20 =	sadd.s32 s19, s9;
	s19 =	smov.u32 s22;
	[sflag:s12] =	ssyncadd.s32 $0xFFFFFF80  }
0x2c: {  	[tilespmem:s14], [sflag:$0x2] =	stream.linear.gather [hbm4b:s20+s4], $0x80, $0x38;
	[tilespmem:$0x17D00] =	vst v63  }
0x2d: {  	_ =	swait.ge [sflag:s12], $0x80  }
0x2e: {  	[sflag:s12] =	ssyncset.done $0x0  }
0x2f: {  	[sflag:s12] =	ssyncadd.s32 $0xFFFFFF80  }
0x30: {  	[tilespmem:s16], [sflag:$0x1] =	stream.indirect.gather [hbm4b:s5+s15], $0x80, s13, s15, $0xb8;
	[tilespmem:$0x17D00] =	vst v63  }
0x31: {  	_ =	swait.ge [sflag:s17], $0x4000  }
.Ltmp0:
0x32: {  	[sflag:s17] =	ssyncset.done $0x0;
	(pc) =	sbr.rel @p0 .LBB2_2-.Ltmp0, $4  }
0x33: {  	[sflag:s17] =	ssyncadd.s32 $0xFFFFC000  }
0x34: {  	[spmem:s3] =	stream.indirect.scatter.add.f32 [tilespmem:s16], [sflag:$0x2], $0x80, s14, s15, $0xb8;
	[tilespmem:$0x17D00] =	vst v63  }
0x35: {  	_ =	swait.ge [sflag:s12], $0x4000  }
0x36: {  	s20 =	smov.u32 s23;
	[sflag:s12] =	ssyncset.done $0x0  }
0x37: {  	s20 =	sadd.s32 s19, s10;
	[sflag:s12] =	ssyncadd.s32 $0xFFFFC000  }
0x38: {  	[tilespmem:s13], [sflag:$0x2] =	stream.linear.gather [hbm4b:s20+s4], $0x80, $0x38;
	[tilespmem:$0x17D00] =	vst v63  }
0x39: {  	_ =	swait.ge [sflag:s12], $0x80  }
0x3a: {  	[sflag:s12] =	ssyncset.done $0x0  }
0x3b: {  	s31 =	sadd.s32 s19, s9;
	[sflag:s12] =	ssyncadd.s32 $0xFFFFFF80  }
0x3c: {  	[tilespmem:s14], [sflag:$0x2] =	stream.linear.gather [hbm4b:s31+s4], $0x80, $0x38;
	[tilespmem:$0x17D00] =	vst v63  }
0x3d: {  	_ =	swait.ge [sflag:s12], $0x80  }
0x3e: {  	[sflag:s12] =	ssyncset.done $0x0  }
0x3f: {  	[sflag:s12] =	ssyncadd.s32 $0xFFFFFF80  }
0x40: {  	[tilespmem:s16], [sflag:$0x1] =	stream.indirect.gather [hbm4b:s5+s15], $0x80, s13, s15, $0xb8;
	[tilespmem:$0x17D00] =	vst v63  }
0x41: {  	_ =	swait.ge [sflag:s17], $0x4000  }
0x42: {  	[sflag:s17] =	ssyncset.done $0x0  }
0x43: {  	[sflag:s17] =	ssyncadd.s32 $0xFFFFC000  }
0x44: {  	[spmem:s3] =	stream.indirect.scatter.add.f32 [tilespmem:s16], [sflag:$0x2], $0x80, s14, s15, $0xb8;
	[tilespmem:$0x17D00] =	vst v63  }
0x45: {  	_ =	swait.ge [sflag:s12], $0x4000  }
0x46: {  	s18 =	sadd.s32 $0x1, s18;
	[sflag:s12] =	ssyncset.done $0x0  }
0x47: {  	p0 =	sne.s32 s18, s8;
	[sflag:s12] =	ssyncadd.s32 $0xFFFFC000  }
.Ltmp1:
0x48: {  	[bflag:$0x0] =	sbarrier.arrive $0xFFFF;
	(pc) =	sbr.rel @p0 .LBB2_1-.Ltmp1, $4  }
0x49: {  	[hbm:s7], [sflag:s6] =	dma.local [spmem:s11], $0x2780  }
0x4a: {  	_ =	swait.ge [sflag:s12], $0x2780  }
0x4b: {  	[sflag:s12] =	ssyncset.done $0x0  }
0x4c: {  	[sflag:s12] =	ssyncadd.s32 $0xFFFFD880  }
0x4d: {  	_ =	sfence.sel $0x180000  }
0x4e: {  	[bflag:$0x0] =	sbarrier.arrive $0xFFFF  }
0x4f: {  	p0 =	sne.s32 s1, $0x0;
	_ =	strace $0x90000050  }
0x50: {  	s0 =	sadd.s32 @!p0 $0x100000, s0;
	[bflag:$0x2] =	sbarrier.arrive $0xFFFF  }
0x51: {  	[sflag:s0] =	ssyncadd.tile.s32 @!p0 $0x1;
	_ =	shalt  }
.Lfunc_end2:
_tile_overlayer_lowered:
.L_overlay_start_2:
0x52: {  	(tag) =	ssettag $0x2  }
0x53: {  	s0 =	rddreg [dreg:$0x0];
	s2 =	stileid.u32  }
0x54: {  	s1 =	rddreg [dreg:$0x1];
	p0 =	sne.s32 s2, $0x0  }
0x55: {  	s3 =	rddreg [dreg:$0x2];
	[bflag:$0x3] =	sbarrier.arrive $0xFFFF;
	s2 =	simm.s32 @!p0 $0x1C02  }
0x56: {  	[timem:s3], [sflag:s2] =	dma.local @!p0 [hbm:s0], s1  }
0x57: {  	s0 =	simm.s32 @!p0 $0x2  }
0x58: {  	_ =	swait.ge @!p0 [sflag:s0], s1  }
0x59: {  	s1 =	ssub.s32 @!p0 $0x0, s1;
	[sflag:s0] =	ssyncset.done @!p0 $0x0  }
0x5a: {  	[sflag:s0] =	ssyncadd.s32 @!p0 s1  }
0x5b: {  	[bflag:$0x3] =	sbarrier.arrive $0xFFFF  }
0x5c: {  	_ =	shalt  }

// kernel: kernel.27.cloned.1.call-start
scs
__scs_entry_jumppad:
0x0: {  	(pc) =	sbr.rel $0x88, $3  }
0x1: {  	(tag) =	ssettag $0x0;
	lr =	simm.s32 $0x1  }
0x2: {  	[smem:$0x3F94] =	sst lr;
	_ =	strace $0xD0000000  }
0x3: {  	_ = 	snop  }
0x4: {  	_ = 	snop  }
0x5: {  	_ = 	snop  }
0x6: {  	_ = 	snop  }
0x7: {  	_ = 	snop  }
__scs_overlays_trampoline_lowered:
0x8: {  	[smem:$0x3FA3] =	sst s0  }
0x9: {  	[smem:$0x3FA4] =	sst s1  }
0xa: {  	[smem:$0x3FA5] =	sst s2  }
0xb: {  	[smem:$0x3FA6] =	sst s3  }
0xc: {  	[smem:$0x3FA7] =	sst s4  }
0xd: {  	[smem:$0x3FA8] =	sst s5  }
0xe: {  	[smem:$0x3FA9] =	sst s6  }
0xf: {  	[smem:$0x3FAA] =	sst s7  }
0x10: {  	[smem:$0x3FAB] =	sst s8  }
0x11: {  	[smem:$0x3FAC] =	sst s9;
	s0 =	simm.s32 @!p0 $0x0  }
0x12: {  	s1 =	sld [smem:$0x3F92];
	s0 =	simm.s32 @p0 $0x1  }
0x13: {  	[smem:$0x3FAD] =	sst s0;
	s0 =	simm.s32 @!p1 $0x0  }
0x14: {  	s2 =	sld [smem:$0x3F91];
	s0 =	simm.s32 @p1 $0x1  }
0x15: {  	[smem:$0x3FAE] =	sst s0;
	s0 =	simm.s32 @!p2 $0x0  }
0x16: {  	s3 =	sld [smem:$0x3FDB];
	s0 =	simm.s32 @p2 $0x1  }
0x17: {  	s4 =	simm.s32 $0x1BF5;
	[smem:$0x3FB0] =	sst s0  }
0x18: {  	s0 =	sld [smem:$0x3F93];
	_ =	swait.ge [sflag:s4], $0x0  }
0x19: {  	s7 =	sld [smem:$0x3F94]  }
0x1a: {  	s8 =	sadd.s32 $0xFFFFE003, lr  }
0x1b: {  	s9 =	sadd.s32 $0xFFFFFEF7, lr;
	s5 =	simm.s32 $0xFFFFFFFF;
	p2 =	slt.u32 s8, $0xFFFFF086  }
0x1c: {  	p1 =	slt.u32 s9, $0xF7A;
	s5 =	simm.s32 @!p2 $0x0  }
0x1d: {  	s5 =	simm.s32 @p1 $0x1;
	p0 =	seq.s32 s7, s2  }
0x1e: {  	s7 =	smul.u32 @!p0 $0xF7A, s2;
	p2 =	seq.s32 @!p0 s5, $0x0  }
0x1f: {  	s9 =	smul.u32 $0xF7A, s1;
	s8 =	simm.s32 @!p0 $0x1BF5;
	p2 =	por !p2, p0  }
0x20: {  	[sflag:s8] =	ssyncset.s32 @!p0 $0xFFFFF086;
	s6 =	sadd.s32 @!p0 s3, s7;
	s7 =	simm.s32 @!p0 $0x108  }
0x21: {  	s3 =	sadd.s32 s3, s9;
	s6 =	sadd.s32 @!p0 $0x88, s6;
	s7 =	simm.s32 @p2 $0x1082  }
0x22: {  	[simem:s7], [sflag:s8] =	dma.local @!p0 [hbm:s6], $0xF7A  }
0x23: {  	s9 =	sor.u32 $0xD0000000, s2;
	s6 =	simm.s32 $0x108;
	_ =	swait.ge @!p0 [sflag:s8], $0x0  }
0x24: {  	s3 =	sadd.s32 $0x88, s3;
	s6 =	simm.s32 @!p1 $0x1082;
	[sflag:s4] =	ssyncset.s32 $0xFFFFF086  }
0x25: {  	[simem:s6], [sflag:s4] =	dma.local [hbm:s3], $0xF7A  }
0x26: {  	[smem:$0x3F94] =	sst s1;
	(tag) =	ssettag s2;
	_ =	strace s9  }
0x27: {  	s1 =	sld [smem:$0x3FA4]  }
0x28: {  	s2 =	sld [smem:$0x3FA5]  }
0x29: {  	s4 =	sld [smem:$0x3FA7]  }
0x2a: {  	p0 =	seq.s32 s5, $0x0;
	s5 =	sld [smem:$0x3FA8]  }
0x2b: {  	s6 =	sld [smem:$0x3FA9]  }
0x2c: {  	s7 =	sld [smem:$0x3FAA]  }
0x2d: {  	s3 =	simm.s32 $0x108;
	s8 =	sld [smem:$0x3FAB]  }
0x2e: {  	s3 =	simm.s32 @!p0 $0x1082;
	s9 =	sld [smem:$0x3FAC]  }
0x2f: {  	lr =	sadd.s32 s0, s3;
	s0 =	sld [smem:$0x3FA3]  }
0x30: {  	s3 =	sld [smem:$0x3FA6]  }
0x31: {  	[smem:$0x3FAF] =	sst s10  }
0x32: {  	s10 =	sld [smem:$0x3FAD];
	_ =	sdelay $0x3  }
0x33: {  	p0 =	seq.s32 s10, $0x1;
	s10 =	sld [smem:$0x3FAF];
	_ =	sdelay $0x3  }
0x34: {  	[smem:$0x3FAF] =	sst s10  }
0x35: {  	s10 =	sld [smem:$0x3FAE];
	_ =	sdelay $0x3  }
0x36: {  	p1 =	seq.s32 s10, $0x1;
	s10 =	sld [smem:$0x3FAF];
	_ =	sdelay $0x3  }
0x37: {  	[smem:$0x3FAF] =	sst s10  }
0x38: {  	s10 =	sld [smem:$0x3FB0]  }
0x39: {  	_ = 	snop;
	(pc) =	sbr.ind lr, $3  }
0x3a: {  	_ = 	snop  }
0x3b: {  	_ = 	snop  }
0x3c: {  	p2 =	seq.s32 s10, $0x1;
	s10 =	sld [smem:$0x3FAF]  }
0x3d: {  	_ =	shalt  }
0x3e: {  	_ =	shalt  }
0x3f: {  	_ =	shalt  }
0x40: {  	_ =	shalt  }
0x41: {  	_ =	shalt  }
0x42: {  	_ =	shalt  }
0x43: {  	_ =	shalt  }
0x44: {  	_ =	shalt  }
0x45: {  	_ =	shalt  }
0x46: {  	_ =	shalt  }
0x47: {  	_ =	shalt  }
0x48: {  	_ =	shalt  }
0x49: {  	_ =	shalt  }
0x4a: {  	_ =	shalt  }
0x4b: {  	_ =	shalt  }
0x4c: {  	_ =	shalt  }
0x4d: {  	_ =	shalt  }
0x4e: {  	_ =	shalt  }
0x4f: {  	_ =	shalt  }
0x50: {  	_ =	shalt  }
0x51: {  	_ =	shalt  }
0x52: {  	_ =	shalt  }
0x53: {  	_ =	shalt  }
0x54: {  	_ =	shalt  }
0x55: {  	_ =	shalt  }
0x56: {  	_ =	shalt  }
0x57: {  	_ =	shalt  }
0x58: {  	_ =	shalt  }
0x59: {  	_ =	shalt  }
0x5a: {  	_ =	shalt  }
0x5b: {  	_ =	shalt  }
0x5c: {  	_ =	shalt  }
0x5d: {  	_ =	shalt  }
0x5e: {  	_ =	shalt  }
0x5f: {  	_ =	shalt  }
0x60: {  	_ =	shalt  }
0x61: {  	_ =	shalt  }
0x62: {  	_ =	shalt  }
0x63: {  	_ =	shalt  }
0x64: {  	_ =	shalt  }
0x65: {  	_ =	shalt  }
0x66: {  	_ =	shalt  }
0x67: {  	_ =	shalt  }
0x68: {  	_ =	shalt  }
0x69: {  	_ =	shalt  }
0x6a: {  	_ =	shalt  }
0x6b: {  	_ =	shalt  }
0x6c: {  	_ =	shalt  }
0x6d: {  	_ =	shalt  }
0x6e: {  	_ =	shalt  }
0x6f: {  	_ =	shalt  }
0x70: {  	_ =	shalt  }
0x71: {  	_ =	shalt  }
0x72: {  	_ =	shalt  }
0x73: {  	_ =	shalt  }
0x74: {  	_ =	shalt  }
0x75: {  	_ =	shalt  }
0x76: {  	_ =	shalt  }
0x77: {  	_ =	shalt  }
0x78: {  	_ =	shalt  }
0x79: {  	_ =	shalt  }
0x7a: {  	_ =	shalt  }
0x7b: {  	_ =	shalt  }
0x7c: {  	_ =	shalt  }
0x7d: {  	_ =	shalt  }
0x7e: {  	_ =	shalt  }
0x7f: {  	_ =	shalt  }
0x80: {  	_ =	shalt  }
0x81: {  	_ =	shalt  }
0x82: {  	_ =	shalt  }
0x83: {  	_ =	shalt  }
0x84: {  	_ =	shalt  }
0x85: {  	_ =	shalt  }
0x86: {  	_ =	shalt  }
0x87: {  	_ =	shalt  }
.Lfunc_end0:
.L_simem_size_0:
called_computation.4_lowered:
.L_overlay_start_0:
0x88: {  	s2 =	sld [smem:$0x3FD9]  }
0x89: {  	s3 =	sld [smem:$0x3FFE];
	_ =	sdelay $0x1  }
0x8a: {  	s1 =	srdreg.scid  }
0x8b: {  	s0 =	sand.u32 $0x1, s1  }
0x8c: {  	s14 =	sshll.u32 s0, $0xA;
	s2 =	sadd.s32 s3, s2  }
0x8d: {  	s2 =	sadd.s32 s2, s14  }
0x8e: {  	[smem:$0x3FBB] =	sst s2  }
0x8f: {  	_ = 	snop  }
0x90: {  	s2 =	sld [smem:$0x3FD0];
	_ =	sdelay $0x2  }
0x91: {  	s15 =	simm.s32 $0xA;
	s4 =	simm.s32 $0x10  }
0x92: {  	[smem:s4], [sflag:s15] =	dma.local [hbm:s2], $0x1  }
0x93: {  	_ =	swait.eq [sflag:s15], $0x1  }
0x94: {  	[sflag:s15] =	ssyncset.done $0x0  }
0x95: {  	s16 =	sld [smem:$0x10];
	[sflag:s15] =	ssyncadd.s32 $0xFFFFFFFF  }
0x96: {  	s17 =	sld [smem:$0x12];
	(tm) =	ssettm $0x1  }
0x97: {  	s18 =	sld [smem:$0x3FFB];
	_ =	sdelay $0x3  }
0x98: {  	_ =	strace s18  }
0x99: {  	s4 =	sld [smem:$0x3FFC];
	_ =	sdelay $0x3  }
0x9a: {  	_ =	strace s4  }
0x9b: {  	s4 =	sld [smem:$0x3FFD];
	_ =	sdelay $0x3  }
0x9c: {  	_ =	strace s4  }
0x9d: {  	_ =	strace $0x8FFFFFFF  }
0x9e: {  	s19 =	sld [smem:$0x3FDB];
	_ =	sdelay $0x1  }
0x9f: {  	s5 =	simm.s32 $_scs_section_size  }
0xa0: {  	s6 =	simm.s32 $_size__tile_overlayer_lowered;
	s7 =	simm.s32 $_tile_overlayer_lowered  }
0xa1: {  	s22 =	simm.s32 $0x1BFF;
	s21 =	sshll.u32 s7, $0x1;
	s4 =	sadd.s32 s5, s19  }
0xa2: {  	s8 =	simm.s32 $0x0;
	s20 =	sshll.u32 s6, $0x1;
	s6 =	sadd.s32 s21, s4  }
0xa3: {  	[timem:s8], [sflag:s22] =	dma.local [hbm:s6], s20  }
0xa4: {  	_ =	swait.ge [sflag:s22], s20  }
0xa5: {  	s5 =	ssub.s32 $0x0, s20;
	[sflag:s22] =	ssyncset.done $0x0  }
0xa6: {  	[sflag:s22] =	ssyncadd.s32 s5;
	_ =	sdelay $0x1  }
0xa7: {  	s23 =	simm.s32 $0x1B8B  }
0xa8: {  	_ =	swait.ge [sflag:s23], $0x1  }
0xa9: {  	[sflag:s23] =	ssyncset.done $0x0  }
0xaa: {  	s25 =	simm.s32 $0x1B8E;
	s24 =	sld [smem:$0x3FFE];
	[sflag:s23] =	ssyncadd.s32 $0xFFFFFFFF  }
0xab: {  	s26 =	simm.s32 $execute0_lowered;
	[smem:$0x3FD2] =	sst s25  }
0xac: {  	s6 =	sshll.u32 s26, $0x1;
	_ =	strace $0x80000052;
	[dreg:$0x1] =	wrdreg $0xFFFFFFFF  }
0xad: {  	s28 =	simm.s32 $_size_execute0_lowered;
	s4 =	sadd.s32 s4, s6;
	[dreg:$0x0] =	wrdreg $0x0  }
0xae: {  	s6 =	sshll.u32 s28, $0x1;
	[dreg:$0x2] =	wrdreg s4  }
0xaf: {  	[dreg:$0x3] =	wrdreg s6  }
0xb0: {  	[dreg:$0x4] =	wrdreg $0xC0  }
0xb1: {  	_ =	task [dreg:s8], $0x5FFFF  }
0xb2: {  	[dreg:$0x1] =	wrdreg $0xFFFFFFFF  }
0xb3: {  	[dreg:$0x0] =	wrdreg $0x60  }
0xb4: {  	[dreg:$0x2] =	wrdreg s24  }
0xb5: {  	[dreg:$0x3] =	wrdreg s16  }
0xb6: {  	[dreg:$0x4] =	wrdreg s17  }
0xb7: {  	[dreg:$0x5] =	wrdreg $0x0  }
0xb8: {  	[dreg:$0x6] =	wrdreg $0x9  }
0xb9: {  	_ =	task.clear_ibuf [dreg:s8], $0x7FFFF;
	_ =	strace $0x90000052  }
0xba: {  	s29 =	simm.s32 $0x9;
	_ =	strace $0x80000054  }
0xbb: {  	_ =	swait.ge [sflag:s29], $0x1  }
0xbc: {  	[sflag:s29] =	ssyncadd.s32 $0xFFFFFFFF  }
0xbd: {  	_ =	strace $0x90000054  }
0xbe: {  	_ =	sfence  }
0xbf: {  	s30 =	sld [smem:$0x0];
	_ =	sdelay $0x2  }
0xc0: {  	s31 =	sshll.u32 s1, $0xD;
	s1 =	sshrl.u32 s1, $0x2  }
0xc1: {  	s3 =	sand.u32 $0x4000, s31;
	s1 =	sadd.s32 s1, s30  }
0xc2: {  	s0 =	sor.u32 s3, s0;
	s1 =	sshll.u32 s1, $0x11  }
0xc3: {  	s0 =	sor.u32 s1, s0  }
0xc4: {  	s0 =	sadd.s32 $0x8F2B, s0  }
0xc5: {  	[sflag:s0] =	ssyncadd.remote.s32 $0x1  }
0xc6: {  	_ =	sfence.sel $0xFFFF  }
0xc7: {  	[dreg:$0x0] =	wrdreg $0xFFFFFFFF;
	(pc) =	sbr.abs _section_cstart, $3  }
0xc8: {  	[dreg:$0x1] =	wrdreg $0xFFFFFFFF  }
0xc9: {  	_ =	task.clear_ibuf [dreg:s8], $0x2FFFF;
	_ =	strace $0x9FFFFFFF  }
0xca: {  	(tm) =	ssettm $0x7FFFFFFF  }
0xcb: {  	_ =	shalt  }
tec
execute0_lowered:
.L_overlay_start_1:
0x0: {  	(tag) =	ssettag $0x1  }
0x1: {  	s6 =	rddreg [dreg:$0x0]  }
0x2: {  	s10 =	rddreg [dreg:$0x1]  }
0x3: {  	s2 =	rddreg [dreg:$0x2]  }
0x4: {  	s3 =	rddreg [dreg:$0x3]  }
0x5: {  	s0 =	rddreg [dreg:$0x4]  }
0x6: {  	s1 =	stileid.u32;
	s5 =	srdreg.scid;
	s4 =	simm.s32 $0x0  }
0x7: {  	s16 =	simm.s32 $0x13D00;
	s17 =	simm.s32 $0x1;
	s8 =	smul.u32 $0x2780, s1  }
0x8: {  	s18 =	simm.s32 $0x0;
	s7 =	sand.u32 $0x1, s5;
	s11 =	smul.u32 $0x9E0, s1  }
0x9: {  	[smem:$0x7FF] =	sst s4;
	s5 =	sadd.s32 $0x87C00, s6;
	s28 =	smul.u32 $0x4F000, s1  }
0xa: {  	s30 =	sshll.u32 s1, $0x6;
	s9 =	smul.u32 $0x27800, s7;
	_ =	strace $0x80000053  }
0xb: {  	s29 =	ssub.s32 $0x2, s7;
	s14 =	smul.u32 $0x4F0, s7;
	s12 =	sadd.s32 s11, s6  }
0xc: {  	s13 =	sshrl.u32 s29, $0x1;
	s10 =	sadd.s32 s11, s10;
	s8 =	sadd.s32 s8, s9  }
0xd: {  	s9 =	sshrl.u32 s28, $0x2;
	s13 =	ssub.s32 s29, s13;
	s31 =	sadd.s32 s14, s12  }
0xe: {  	s10 =	sadd.s32 s14, s10;
	s12 =	simm.s32 $0x2;
	s14 =	simm.s32 $0x13C80  }
0xf: {  	s8 =	sadd.s32 s8, s6;
	s15 =	sadd.s32 s9, s3;
	s6 =	sor.u32 $0x1C02, s30  }
0x10: {  	s9 =	sadd.s32 $0x7600, s31;
	s7 =	sadd.s32 $0xAF400, s8;
	s8 =	smax.u32 s13, $0x1  }
0x11: {  	s11 =	sshrl.u32 s15, $0x3;
	s13 =	simm.s32 $0x13C00;
	s15 =	simm.s32 $0x80  }
.LBB2_1:
0x12: {  	[spmem:s11], [sflag:s6] =	dma.local [hbm:s2], $0x2780  }
0x13: {  	_ =	swait.ge [sflag:s12], $0x2780  }
0x14: {  	[sflag:s12] =	ssyncset.done $0x0  }
0x15: {  	[sflag:s12] =	ssyncadd.s32 $0xFFFFD880  }
0x16: {  	s19 =	sadd.s32 $0x0, s10;
	[bflag:$0x0] =	sbarrier.arrive $0xFFFF  }
0x17: {  	[tilespmem:s13], [sflag:$0x2] =	stream.linear.gather [hbm4b:s19+s4], $0x80, $0x38;
	[tilespmem:$0x17D00] =	vst v63  }
0x18: {  	_ =	swait.ge [sflag:s12], $0x80  }
0x19: {  	[sflag:s12] =	ssyncset.done $0x0  }
0x1a: {  	s31 =	sadd.s32 $0x0, s9;
	[sflag:s12] =	ssyncadd.s32 $0xFFFFFF80  }
0x1b: {  	[tilespmem:s14], [sflag:$0x2] =	stream.linear.gather [hbm4b:s31+s4], $0x80, $0x38;
	[tilespmem:$0x17D00] =	vst v63  }
0x1c: {  	_ =	swait.ge [sflag:s12], $0x80  }
0x1d: {  	[sflag:s12] =	ssyncset.done $0x0  }
0x1e: {  	[sflag:s12] =	ssyncadd.s32 $0xFFFFFF80  }
0x1f: {  	[tilespmem:s16], [sflag:$0x1] =	stream.indirect.gather [hbm4b:s5+s15], $0x80, s13, s15, $0xb8;
	[tilespmem:$0x17D00] =	vst v63  }
0x20: {  	_ =	swait.ge [sflag:s17], $0x4000  }
0x21: {  	[sflag:s17] =	ssyncset.done $0x0  }
0x22: {  	[sflag:s17] =	ssyncadd.s32 $0xFFFFC000  }
0x23: {  	[spmem:s3] =	stream.indirect.scatter.add.f32 [tilespmem:s16], [sflag:$0x2], $0x80, s14, s15, $0xb8;
	[tilespmem:$0x17D00] =	vst v63  }
0x24: {  	_ =	swait.ge [sflag:s12], $0x4000  }
0x25: {  	s20 =	simm.s32 $0x20;
	s19 =	simm.s32 $0x10;
	[sflag:s12] =	ssyncset.done $0x0  }
.LBB2_2:
0x26: {  	s21 =	sadd.s32 s19, s10  }
0x27: {  	[sflag:s12] =	ssyncadd.s32 $0xFFFFC000;
	s22 =	smov.u32 s20;
	s23 =	sadd.s32 $0x10, s20  }
0x28: {  	[tilespmem:s13], [sflag:$0x2] =	stream.linear.gather [hbm4b:s21+s4], $0x80, $0x38;
	[tilespmem:$0x17D00] =	vst v63  }
0x29: {  	p0 =	sne.s32 s20, $0x4E0;
	_ =	swait.ge [sflag:s12], $0x80  }
0x2a: {  	[sflag:s12] =	ssyncset.done $0x0  }
0x2b: {  	s20 =	sadd.s32 s19, s9;
	s19 =	smov.u32 s22;
	[sflag:s12] =	ssyncadd.s32 $0xFFFFFF80  }
0x2c: {  	[tilespmem:s14], [sflag:$0x2] =	stream.linear.gather [hbm4b:s20+s4], $0x80, $0x38;
	[tilespmem:$0x17D00] =	vst v63  }
0x2d: {  	_ =	swait.ge [sflag:s12], $0x80  }
0x2e: {  	[sflag:s12] =	ssyncset.done $0x0  }
0x2f: {  	[sflag:s12] =	ssyncadd.s32 $0xFFFFFF80  }
0x30: {  	[tilespmem:s16], [sflag:$0x1] =	stream.indirect.gather [hbm4b:s5+s15], $0x80, s13, s15, $0xb8;
	[tilespmem:$0x17D00] =	vst v63  }
0x31: {  	_ =	swait.ge [sflag:s17], $0x4000  }
.Ltmp0:
0x32: {  	[sflag:s17] =	ssyncset.done $0x0;
	(pc) =	sbr.rel @p0 .LBB2_2-.Ltmp0, $4  }
0x33: {  	[sflag:s17] =	ssyncadd.s32 $0xFFFFC000  }
0x34: {  	[spmem:s3] =	stream.indirect.scatter.add.f32 [tilespmem:s16], [sflag:$0x2], $0x80, s14, s15, $0xb8;
	[tilespmem:$0x17D00] =	vst v63  }
0x35: {  	_ =	swait.ge [sflag:s12], $0x4000  }
0x36: {  	s20 =	smov.u32 s23;
	[sflag:s12] =	ssyncset.done $0x0  }
0x37: {  	s20 =	sadd.s32 s19, s10;
	[sflag:s12] =	ssyncadd.s32 $0xFFFFC000  }
0x38: {  	[tilespmem:s13], [sflag:$0x2] =	stream.linear.gather [hbm4b:s20+s4], $0x80, $0x38;
	[tilespmem:$0x17D00] =	vst v63  }
0x39: {  	_ =	swait.ge [sflag:s12], $0x80  }
0x3a: {  	[sflag:s12] =	ssyncset.done $0x0  }
0x3b: {  	s31 =	sadd.s32 s19, s9;
	[sflag:s12] =	ssyncadd.s32 $0xFFFFFF80  }
0x3c: {  	[tilespmem:s14], [sflag:$0x2] =	stream.linear.gather [hbm4b:s31+s4], $0x80, $0x38;
	[tilespmem:$0x17D00] =	vst v63  }
0x3d: {  	_ =	swait.ge [sflag:s12], $0x80  }
0x3e: {  	[sflag:s12] =	ssyncset.done $0x0  }
0x3f: {  	[sflag:s12] =	ssyncadd.s32 $0xFFFFFF80  }
0x40: {  	[tilespmem:s16], [sflag:$0x1] =	stream.indirect.gather [hbm4b:s5+s15], $0x80, s13, s15, $0xb8;
	[tilespmem:$0x17D00] =	vst v63  }
0x41: {  	_ =	swait.ge [sflag:s17], $0x4000  }
0x42: {  	[sflag:s17] =	ssyncset.done $0x0  }
0x43: {  	[sflag:s17] =	ssyncadd.s32 $0xFFFFC000  }
0x44: {  	[spmem:s3] =	stream.indirect.scatter.add.f32 [tilespmem:s16], [sflag:$0x2], $0x80, s14, s15, $0xb8;
	[tilespmem:$0x17D00] =	vst v63  }
0x45: {  	_ =	swait.ge [sflag:s12], $0x4000  }
0x46: {  	s18 =	sadd.s32 $0x1, s18;
	[sflag:s12] =	ssyncset.done $0x0  }
0x47: {  	p0 =	sne.s32 s18, s8;
	[sflag:s12] =	ssyncadd.s32 $0xFFFFC000  }
.Ltmp1:
0x48: {  	[bflag:$0x0] =	sbarrier.arrive $0xFFFF;
	(pc) =	sbr.rel @p0 .LBB2_1-.Ltmp1, $4  }
0x49: {  	[hbm:s7], [sflag:s6] =	dma.local [spmem:s11], $0x2780  }
0x4a: {  	_ =	swait.ge [sflag:s12], $0x2780  }
0x4b: {  	[sflag:s12] =	ssyncset.done $0x0  }
0x4c: {  	[sflag:s12] =	ssyncadd.s32 $0xFFFFD880  }
0x4d: {  	_ =	sfence.sel $0x180000  }
0x4e: {  	[bflag:$0x0] =	sbarrier.arrive $0xFFFF  }
0x4f: {  	p0 =	sne.s32 s1, $0x0;
	_ =	strace $0x90000053  }
0x50: {  	s0 =	sadd.s32 @!p0 $0x100000, s0;
	[bflag:$0x2] =	sbarrier.arrive $0xFFFF  }
0x51: {  	[sflag:s0] =	ssyncadd.tile.s32 @!p0 $0x1;
	_ =	shalt  }
.Lfunc_end2:
_tile_overlayer_lowered:
.L_overlay_start_2:
0x52: {  	(tag) =	ssettag $0x2  }
0x53: {  	s0 =	rddreg [dreg:$0x0];
	s2 =	stileid.u32  }
0x54: {  	s1 =	rddreg [dreg:$0x1];
	p0 =	sne.s32 s2, $0x0  }
0x55: {  	s3 =	rddreg [dreg:$0x2];
	[bflag:$0x3] =	sbarrier.arrive $0xFFFF;
	s2 =	simm.s32 @!p0 $0x1C02  }
0x56: {  	[timem:s3], [sflag:s2] =	dma.local @!p0 [hbm:s0], s1  }
0x57: {  	s0 =	simm.s32 @!p0 $0x2  }
0x58: {  	_ =	swait.ge @!p0 [sflag:s0], s1  }
0x59: {  	s1 =	ssub.s32 @!p0 $0x0, s1;
	[sflag:s0] =	ssyncset.done @!p0 $0x0  }
0x5a: {  	[sflag:s0] =	ssyncadd.s32 @!p0 s1  }
0x5b: {  	[bflag:$0x3] =	sbarrier.arrive $0xFFFF  }
0x5c: {  	_ =	shalt  }

// kernel: kernel.30.cloned.1.call-start
scs
__scs_entry_jumppad:
0x0: {  	(pc) =	sbr.rel $0x88, $3  }
0x1: {  	(tag) =	ssettag $0x0;
	lr =	simm.s32 $0x1  }
0x2: {  	[smem:$0x3F94] =	sst lr;
	_ =	strace $0xD0000000  }
0x3: {  	_ = 	snop  }
0x4: {  	_ = 	snop  }
0x5: {  	_ = 	snop  }
0x6: {  	_ = 	snop  }
0x7: {  	_ = 	snop  }
__scs_overlays_trampoline_lowered:
0x8: {  	[smem:$0x3FA3] =	sst s0  }
0x9: {  	[smem:$0x3FA4] =	sst s1  }
0xa: {  	[smem:$0x3FA5] =	sst s2  }
0xb: {  	[smem:$0x3FA6] =	sst s3  }
0xc: {  	[smem:$0x3FA7] =	sst s4  }
0xd: {  	[smem:$0x3FA8] =	sst s5  }
0xe: {  	[smem:$0x3FA9] =	sst s6  }
0xf: {  	[smem:$0x3FAA] =	sst s7  }
0x10: {  	[smem:$0x3FAB] =	sst s8  }
0x11: {  	[smem:$0x3FAC] =	sst s9;
	s0 =	simm.s32 @!p0 $0x0  }
0x12: {  	s1 =	sld [smem:$0x3F92];
	s0 =	simm.s32 @p0 $0x1  }
0x13: {  	[smem:$0x3FAD] =	sst s0;
	s0 =	simm.s32 @!p1 $0x0  }
0x14: {  	s2 =	sld [smem:$0x3F91];
	s0 =	simm.s32 @p1 $0x1  }
0x15: {  	[smem:$0x3FAE] =	sst s0;
	s0 =	simm.s32 @!p2 $0x0  }
0x16: {  	s3 =	sld [smem:$0x3FDB];
	s0 =	simm.s32 @p2 $0x1  }
0x17: {  	s4 =	simm.s32 $0x1BF5;
	[smem:$0x3FB0] =	sst s0  }
0x18: {  	s0 =	sld [smem:$0x3F93];
	_ =	swait.ge [sflag:s4], $0x0  }
0x19: {  	s7 =	sld [smem:$0x3F94]  }
0x1a: {  	s8 =	sadd.s32 $0xFFFFE003, lr  }
0x1b: {  	s9 =	sadd.s32 $0xFFFFFEF7, lr;
	s5 =	simm.s32 $0xFFFFFFFF;
	p2 =	slt.u32 s8, $0xFFFFF086  }
0x1c: {  	p1 =	slt.u32 s9, $0xF7A;
	s5 =	simm.s32 @!p2 $0x0  }
0x1d: {  	s5 =	simm.s32 @p1 $0x1;
	p0 =	seq.s32 s7, s2  }
0x1e: {  	s7 =	smul.u32 @!p0 $0xF7A, s2;
	p2 =	seq.s32 @!p0 s5, $0x0  }
0x1f: {  	s9 =	smul.u32 $0xF7A, s1;
	s8 =	simm.s32 @!p0 $0x1BF5;
	p2 =	por !p2, p0  }
0x20: {  	[sflag:s8] =	ssyncset.s32 @!p0 $0xFFFFF086;
	s6 =	sadd.s32 @!p0 s3, s7;
	s7 =	simm.s32 @!p0 $0x108  }
0x21: {  	s3 =	sadd.s32 s3, s9;
	s6 =	sadd.s32 @!p0 $0x88, s6;
	s7 =	simm.s32 @p2 $0x1082  }
0x22: {  	[simem:s7], [sflag:s8] =	dma.local @!p0 [hbm:s6], $0xF7A  }
0x23: {  	s9 =	sor.u32 $0xD0000000, s2;
	s6 =	simm.s32 $0x108;
	_ =	swait.ge @!p0 [sflag:s8], $0x0  }
0x24: {  	s3 =	sadd.s32 $0x88, s3;
	s6 =	simm.s32 @!p1 $0x1082;
	[sflag:s4] =	ssyncset.s32 $0xFFFFF086  }
0x25: {  	[simem:s6], [sflag:s4] =	dma.local [hbm:s3], $0xF7A  }
0x26: {  	[smem:$0x3F94] =	sst s1;
	(tag) =	ssettag s2;
	_ =	strace s9  }
0x27: {  	s1 =	sld [smem:$0x3FA4]  }
0x28: {  	s2 =	sld [smem:$0x3FA5]  }
0x29: {  	s4 =	sld [smem:$0x3FA7]  }
0x2a: {  	p0 =	seq.s32 s5, $0x0;
	s5 =	sld [smem:$0x3FA8]  }
0x2b: {  	s6 =	sld [smem:$0x3FA9]  }
0x2c: {  	s7 =	sld [smem:$0x3FAA]  }
0x2d: {  	s3 =	simm.s32 $0x108;
	s8 =	sld [smem:$0x3FAB]  }
0x2e: {  	s3 =	simm.s32 @!p0 $0x1082;
	s9 =	sld [smem:$0x3FAC]  }
0x2f: {  	lr =	sadd.s32 s0, s3;
	s0 =	sld [smem:$0x3FA3]  }
0x30: {  	s3 =	sld [smem:$0x3FA6]  }
0x31: {  	[smem:$0x3FAF] =	sst s10  }
0x32: {  	s10 =	sld [smem:$0x3FAD];
	_ =	sdelay $0x3  }
0x33: {  	p0 =	seq.s32 s10, $0x1;
	s10 =	sld [smem:$0x3FAF];
	_ =	sdelay $0x3  }
0x34: {  	[smem:$0x3FAF] =	sst s10  }
0x35: {  	s10 =	sld [smem:$0x3FAE];
	_ =	sdelay $0x3  }
0x36: {  	p1 =	seq.s32 s10, $0x1;
	s10 =	sld [smem:$0x3FAF];
	_ =	sdelay $0x3  }
0x37: {  	[smem:$0x3FAF] =	sst s10  }
0x38: {  	s10 =	sld [smem:$0x3FB0]  }
0x39: {  	_ = 	snop;
	(pc) =	sbr.ind lr, $3  }
0x3a: {  	_ = 	snop  }
0x3b: {  	_ = 	snop  }
0x3c: {  	p2 =	seq.s32 s10, $0x1;
	s10 =	sld [smem:$0x3FAF]  }
0x3d: {  	_ =	shalt  }
0x3e: {  	_ =	shalt  }
0x3f: {  	_ =	shalt  }
0x40: {  	_ =	shalt  }
0x41: {  	_ =	shalt  }
0x42: {  	_ =	shalt  }
0x43: {  	_ =	shalt  }
0x44: {  	_ =	shalt  }
0x45: {  	_ =	shalt  }
0x46: {  	_ =	shalt  }
0x47: {  	_ =	shalt  }
0x48: {  	_ =	shalt  }
0x49: {  	_ =	shalt  }
0x4a: {  	_ =	shalt  }
0x4b: {  	_ =	shalt  }
0x4c: {  	_ =	shalt  }
0x4d: {  	_ =	shalt  }
0x4e: {  	_ =	shalt  }
0x4f: {  	_ =	shalt  }
0x50: {  	_ =	shalt  }
0x51: {  	_ =	shalt  }
0x52: {  	_ =	shalt  }
0x53: {  	_ =	shalt  }
0x54: {  	_ =	shalt  }
0x55: {  	_ =	shalt  }
0x56: {  	_ =	shalt  }
0x57: {  	_ =	shalt  }
0x58: {  	_ =	shalt  }
0x59: {  	_ =	shalt  }
0x5a: {  	_ =	shalt  }
0x5b: {  	_ =	shalt  }
0x5c: {  	_ =	shalt  }
0x5d: {  	_ =	shalt  }
0x5e: {  	_ =	shalt  }
0x5f: {  	_ =	shalt  }
0x60: {  	_ =	shalt  }
0x61: {  	_ =	shalt  }
0x62: {  	_ =	shalt  }
0x63: {  	_ =	shalt  }
0x64: {  	_ =	shalt  }
0x65: {  	_ =	shalt  }
0x66: {  	_ =	shalt  }
0x67: {  	_ =	shalt  }
0x68: {  	_ =	shalt  }
0x69: {  	_ =	shalt  }
0x6a: {  	_ =	shalt  }
0x6b: {  	_ =	shalt  }
0x6c: {  	_ =	shalt  }
0x6d: {  	_ =	shalt  }
0x6e: {  	_ =	shalt  }
0x6f: {  	_ =	shalt  }
0x70: {  	_ =	shalt  }
0x71: {  	_ =	shalt  }
0x72: {  	_ =	shalt  }
0x73: {  	_ =	shalt  }
0x74: {  	_ =	shalt  }
0x75: {  	_ =	shalt  }
0x76: {  	_ =	shalt  }
0x77: {  	_ =	shalt  }
0x78: {  	_ =	shalt  }
0x79: {  	_ =	shalt  }
0x7a: {  	_ =	shalt  }
0x7b: {  	_ =	shalt  }
0x7c: {  	_ =	shalt  }
0x7d: {  	_ =	shalt  }
0x7e: {  	_ =	shalt  }
0x7f: {  	_ =	shalt  }
0x80: {  	_ =	shalt  }
0x81: {  	_ =	shalt  }
0x82: {  	_ =	shalt  }
0x83: {  	_ =	shalt  }
0x84: {  	_ =	shalt  }
0x85: {  	_ =	shalt  }
0x86: {  	_ =	shalt  }
0x87: {  	_ =	shalt  }
.Lfunc_end0:
.L_simem_size_0:
called_computation.5_lowered:
.L_overlay_start_0:
0x88: {  	s2 =	sld [smem:$0x3FD9]  }
0x89: {  	s3 =	sld [smem:$0x3FFE];
	_ =	sdelay $0x1  }
0x8a: {  	s1 =	srdreg.scid  }
0x8b: {  	s0 =	sand.u32 $0x1, s1  }
0x8c: {  	s14 =	sshll.u32 s0, $0xA;
	s2 =	sadd.s32 s3, s2  }
0x8d: {  	s2 =	sadd.s32 s2, s14  }
0x8e: {  	[smem:$0x3FBB] =	sst s2  }
0x8f: {  	_ = 	snop  }
0x90: {  	s2 =	sld [smem:$0x3FD0];
	_ =	sdelay $0x2  }
0x91: {  	s15 =	simm.s32 $0xA;
	s4 =	simm.s32 $0x10  }
0x92: {  	[smem:s4], [sflag:s15] =	dma.local [hbm:s2], $0x1  }
0x93: {  	_ =	swait.eq [sflag:s15], $0x1  }
0x94: {  	[sflag:s15] =	ssyncset.done $0x0  }
0x95: {  	s16 =	sld [smem:$0x10];
	[sflag:s15] =	ssyncadd.s32 $0xFFFFFFFF  }
0x96: {  	s17 =	sld [smem:$0x12];
	(tm) =	ssettm $0x1  }
0x97: {  	s18 =	sld [smem:$0x3FFB];
	_ =	sdelay $0x3  }
0x98: {  	_ =	strace s18  }
0x99: {  	s4 =	sld [smem:$0x3FFC];
	_ =	sdelay $0x3  }
0x9a: {  	_ =	strace s4  }
0x9b: {  	s4 =	sld [smem:$0x3FFD];
	_ =	sdelay $0x3  }
0x9c: {  	_ =	strace s4  }
0x9d: {  	_ =	strace $0x8FFFFFFF  }
0x9e: {  	s19 =	sld [smem:$0x3FDB];
	_ =	sdelay $0x1  }
0x9f: {  	s5 =	simm.s32 $_scs_section_size  }
0xa0: {  	s6 =	simm.s32 $_size__tile_overlayer_lowered;
	s7 =	simm.s32 $_tile_overlayer_lowered  }
0xa1: {  	s22 =	simm.s32 $0x1BFF;
	s21 =	sshll.u32 s7, $0x1;
	s4 =	sadd.s32 s5, s19  }
0xa2: {  	s8 =	simm.s32 $0x0;
	s20 =	sshll.u32 s6, $0x1;
	s6 =	sadd.s32 s21, s4  }
0xa3: {  	[timem:s8], [sflag:s22] =	dma.local [hbm:s6], s20  }
0xa4: {  	_ =	swait.ge [sflag:s22], s20  }
0xa5: {  	s5 =	ssub.s32 $0x0, s20;
	[sflag:s22] =	ssyncset.done $0x0  }
0xa6: {  	[sflag:s22] =	ssyncadd.s32 s5;
	_ =	sdelay $0x1  }
0xa7: {  	s23 =	simm.s32 $0x1B8B  }
0xa8: {  	_ =	swait.ge [sflag:s23], $0x1  }
0xa9: {  	[sflag:s23] =	ssyncset.done $0x0  }
0xaa: {  	s25 =	simm.s32 $0x1B8E;
	s24 =	sld [smem:$0x3FFE];
	[sflag:s23] =	ssyncadd.s32 $0xFFFFFFFF  }
0xab: {  	s26 =	simm.s32 $execute0_lowered;
	[smem:$0x3FD2] =	sst s25  }
0xac: {  	s6 =	sshll.u32 s26, $0x1;
	_ =	strace $0x80000055;
	[dreg:$0x1] =	wrdreg $0xFFFFFFFF  }
0xad: {  	s28 =	simm.s32 $_size_execute0_lowered;
	s4 =	sadd.s32 s4, s6;
	[dreg:$0x0] =	wrdreg $0x0  }
0xae: {  	s6 =	sshll.u32 s28, $0x1;
	[dreg:$0x2] =	wrdreg s4  }
0xaf: {  	[dreg:$0x3] =	wrdreg s6  }
0xb0: {  	[dreg:$0x4] =	wrdreg $0xC0  }
0xb1: {  	_ =	task [dreg:s8], $0x5FFFF  }
0xb2: {  	[dreg:$0x1] =	wrdreg $0xFFFFFFFF  }
0xb3: {  	[dreg:$0x0] =	wrdreg $0x60  }
0xb4: {  	[dreg:$0x2] =	wrdreg s24  }
0xb5: {  	[dreg:$0x3] =	wrdreg s16  }
0xb6: {  	[dreg:$0x4] =	wrdreg s17  }
0xb7: {  	[dreg:$0x5] =	wrdreg $0x0  }
0xb8: {  	[dreg:$0x6] =	wrdreg $0x9  }
0xb9: {  	_ =	task.clear_ibuf [dreg:s8], $0x7FFFF;
	_ =	strace $0x90000055  }
0xba: {  	s29 =	simm.s32 $0x9;
	_ =	strace $0x80000057  }
0xbb: {  	_ =	swait.ge [sflag:s29], $0x1  }
0xbc: {  	[sflag:s29] =	ssyncadd.s32 $0xFFFFFFFF  }
0xbd: {  	_ =	strace $0x90000057  }
0xbe: {  	_ =	sfence  }
0xbf: {  	s30 =	sld [smem:$0x0];
	_ =	sdelay $0x2  }
0xc0: {  	s31 =	sshll.u32 s1, $0xD;
	s1 =	sshrl.u32 s1, $0x2  }
0xc1: {  	s3 =	sand.u32 $0x4000, s31;
	s1 =	sadd.s32 s1, s30  }
0xc2: {  	s0 =	sor.u32 s3, s0;
	s1 =	sshll.u32 s1, $0x11  }
0xc3: {  	s0 =	sor.u32 s1, s0  }
0xc4: {  	s0 =	sadd.s32 $0x8F2B, s0  }
0xc5: {  	[sflag:s0] =	ssyncadd.remote.s32 $0x1  }
0xc6: {  	_ =	sfence.sel $0xFFFF  }
0xc7: {  	[dreg:$0x0] =	wrdreg $0xFFFFFFFF;
	(pc) =	sbr.abs _section_cstart, $3  }
0xc8: {  	[dreg:$0x1] =	wrdreg $0xFFFFFFFF  }
0xc9: {  	_ =	task.clear_ibuf [dreg:s8], $0x2FFFF;
	_ =	strace $0x9FFFFFFF  }
0xca: {  	(tm) =	ssettm $0x7FFFFFFF  }
0xcb: {  	_ =	shalt  }
tec
execute0_lowered:
.L_overlay_start_1:
0x0: {  	(tag) =	ssettag $0x1  }
0x1: {  	s6 =	rddreg [dreg:$0x0]  }
0x2: {  	s10 =	rddreg [dreg:$0x1]  }
0x3: {  	s2 =	rddreg [dreg:$0x2]  }
0x4: {  	s3 =	rddreg [dreg:$0x3]  }
0x5: {  	s0 =	rddreg [dreg:$0x4]  }
0x6: {  	s1 =	stileid.u32;
	s5 =	srdreg.scid;
	s4 =	simm.s32 $0x0  }
0x7: {  	s16 =	simm.s32 $0x13D00;
	s17 =	simm.s32 $0x1;
	s8 =	smul.u32 $0x2780, s1  }
0x8: {  	s18 =	simm.s32 $0x0;
	s7 =	sand.u32 $0x1, s5;
	s11 =	smul.u32 $0x9E0, s1  }
0x9: {  	[smem:$0x7FF] =	sst s4;
	s5 =	sadd.s32 $0xAF400, s6;
	s28 =	smul.u32 $0x4F000, s1  }
0xa: {  	s30 =	sshll.u32 s1, $0x6;
	s9 =	smul.u32 $0x27800, s7;
	_ =	strace $0x80000056  }
0xb: {  	s29 =	ssub.s32 $0x2, s7;
	s14 =	smul.u32 $0x4F0, s7;
	s12 =	sadd.s32 s11, s6  }
0xc: {  	s13 =	sshrl.u32 s29, $0x1;
	s10 =	sadd.s32 s11, s10;
	s8 =	sadd.s32 s8, s9  }
0xd: {  	s9 =	sshrl.u32 s28, $0x2;
	s13 =	ssub.s32 s29, s13;
	s31 =	sadd.s32 s14, s12  }
0xe: {  	s10 =	sadd.s32 s14, s10;
	s12 =	simm.s32 $0x2;
	s14 =	simm.s32 $0x13C80  }
0xf: {  	s8 =	sadd.s32 s8, s6;
	s15 =	sadd.s32 s9, s3;
	s6 =	sor.u32 $0x1C02, s30  }
0x10: {  	s9 =	sadd.s32 $0x7600, s31;
	s7 =	sadd.s32 $0xD6C00, s8;
	s8 =	smax.u32 s13, $0x1  }
0x11: {  	s11 =	sshrl.u32 s15, $0x3;
	s13 =	simm.s32 $0x13C00;
	s15 =	simm.s32 $0x80  }
.LBB2_1:
0x12: {  	[spmem:s11], [sflag:s6] =	dma.local [hbm:s2], $0x2780  }
0x13: {  	_ =	swait.ge [sflag:s12], $0x2780  }
0x14: {  	[sflag:s12] =	ssyncset.done $0x0  }
0x15: {  	[sflag:s12] =	ssyncadd.s32 $0xFFFFD880  }
0x16: {  	s19 =	sadd.s32 $0x0, s10;
	[bflag:$0x0] =	sbarrier.arrive $0xFFFF  }
0x17: {  	[tilespmem:s13], [sflag:$0x2] =	stream.linear.gather [hbm4b:s19+s4], $0x80, $0x38;
	[tilespmem:$0x17D00] =	vst v63  }
0x18: {  	_ =	swait.ge [sflag:s12], $0x80  }
0x19: {  	[sflag:s12] =	ssyncset.done $0x0  }
0x1a: {  	s31 =	sadd.s32 $0x0, s9;
	[sflag:s12] =	ssyncadd.s32 $0xFFFFFF80  }
0x1b: {  	[tilespmem:s14], [sflag:$0x2] =	stream.linear.gather [hbm4b:s31+s4], $0x80, $0x38;
	[tilespmem:$0x17D00] =	vst v63  }
0x1c: {  	_ =	swait.ge [sflag:s12], $0x80  }
0x1d: {  	[sflag:s12] =	ssyncset.done $0x0  }
0x1e: {  	[sflag:s12] =	ssyncadd.s32 $0xFFFFFF80  }
0x1f: {  	[tilespmem:s16], [sflag:$0x1] =	stream.indirect.gather [hbm4b:s5+s15], $0x80, s13, s15, $0xb8;
	[tilespmem:$0x17D00] =	vst v63  }
0x20: {  	_ =	swait.ge [sflag:s17], $0x4000  }
0x21: {  	[sflag:s17] =	ssyncset.done $0x0  }
0x22: {  	[sflag:s17] =	ssyncadd.s32 $0xFFFFC000  }
0x23: {  	[spmem:s3] =	stream.indirect.scatter.add.f32 [tilespmem:s16], [sflag:$0x2], $0x80, s14, s15, $0xb8;
	[tilespmem:$0x17D00] =	vst v63  }
0x24: {  	_ =	swait.ge [sflag:s12], $0x4000  }
0x25: {  	s20 =	simm.s32 $0x20;
	s19 =	simm.s32 $0x10;
	[sflag:s12] =	ssyncset.done $0x0  }
.LBB2_2:
0x26: {  	s21 =	sadd.s32 s19, s10  }
0x27: {  	[sflag:s12] =	ssyncadd.s32 $0xFFFFC000;
	s22 =	smov.u32 s20;
	s23 =	sadd.s32 $0x10, s20  }
0x28: {  	[tilespmem:s13], [sflag:$0x2] =	stream.linear.gather [hbm4b:s21+s4], $0x80, $0x38;
	[tilespmem:$0x17D00] =	vst v63  }
0x29: {  	p0 =	sne.s32 s20, $0x4E0;
	_ =	swait.ge [sflag:s12], $0x80  }
0x2a: {  	[sflag:s12] =	ssyncset.done $0x0  }
0x2b: {  	s20 =	sadd.s32 s19, s9;
	s19 =	smov.u32 s22;
	[sflag:s12] =	ssyncadd.s32 $0xFFFFFF80  }
0x2c: {  	[tilespmem:s14], [sflag:$0x2] =	stream.linear.gather [hbm4b:s20+s4], $0x80, $0x38;
	[tilespmem:$0x17D00] =	vst v63  }
0x2d: {  	_ =	swait.ge [sflag:s12], $0x80  }
0x2e: {  	[sflag:s12] =	ssyncset.done $0x0  }
0x2f: {  	[sflag:s12] =	ssyncadd.s32 $0xFFFFFF80  }
0x30: {  	[tilespmem:s16], [sflag:$0x1] =	stream.indirect.gather [hbm4b:s5+s15], $0x80, s13, s15, $0xb8;
	[tilespmem:$0x17D00] =	vst v63  }
0x31: {  	_ =	swait.ge [sflag:s17], $0x4000  }
.Ltmp0:
0x32: {  	[sflag:s17] =	ssyncset.done $0x0;
	(pc) =	sbr.rel @p0 .LBB2_2-.Ltmp0, $4  }
0x33: {  	[sflag:s17] =	ssyncadd.s32 $0xFFFFC000  }
0x34: {  	[spmem:s3] =	stream.indirect.scatter.add.f32 [tilespmem:s16], [sflag:$0x2], $0x80, s14, s15, $0xb8;
	[tilespmem:$0x17D00] =	vst v63  }
0x35: {  	_ =	swait.ge [sflag:s12], $0x4000  }
0x36: {  	s20 =	smov.u32 s23;
	[sflag:s12] =	ssyncset.done $0x0  }
0x37: {  	s20 =	sadd.s32 s19, s10;
	[sflag:s12] =	ssyncadd.s32 $0xFFFFC000  }
0x38: {  	[tilespmem:s13], [sflag:$0x2] =	stream.linear.gather [hbm4b:s20+s4], $0x80, $0x38;
	[tilespmem:$0x17D00] =	vst v63  }
0x39: {  	_ =	swait.ge [sflag:s12], $0x80  }
0x3a: {  	[sflag:s12] =	ssyncset.done $0x0  }
0x3b: {  	s31 =	sadd.s32 s19, s9;
	[sflag:s12] =	ssyncadd.s32 $0xFFFFFF80  }
0x3c: {  	[tilespmem:s14], [sflag:$0x2] =	stream.linear.gather [hbm4b:s31+s4], $0x80, $0x38;
	[tilespmem:$0x17D00] =	vst v63  }
0x3d: {  	_ =	swait.ge [sflag:s12], $0x80  }
0x3e: {  	[sflag:s12] =	ssyncset.done $0x0  }
0x3f: {  	[sflag:s12] =	ssyncadd.s32 $0xFFFFFF80  }
0x40: {  	[tilespmem:s16], [sflag:$0x1] =	stream.indirect.gather [hbm4b:s5+s15], $0x80, s13, s15, $0xb8;
	[tilespmem:$0x17D00] =	vst v63  }
0x41: {  	_ =	swait.ge [sflag:s17], $0x4000  }
0x42: {  	[sflag:s17] =	ssyncset.done $0x0  }
0x43: {  	[sflag:s17] =	ssyncadd.s32 $0xFFFFC000  }
0x44: {  	[spmem:s3] =	stream.indirect.scatter.add.f32 [tilespmem:s16], [sflag:$0x2], $0x80, s14, s15, $0xb8;
	[tilespmem:$0x17D00] =	vst v63  }
0x45: {  	_ =	swait.ge [sflag:s12], $0x4000  }
0x46: {  	s18 =	sadd.s32 $0x1, s18;
	[sflag:s12] =	ssyncset.done $0x0  }
0x47: {  	p0 =	sne.s32 s18, s8;
	[sflag:s12] =	ssyncadd.s32 $0xFFFFC000  }
.Ltmp1:
0x48: {  	[bflag:$0x0] =	sbarrier.arrive $0xFFFF;
	(pc) =	sbr.rel @p0 .LBB2_1-.Ltmp1, $4  }
0x49: {  	[hbm:s7], [sflag:s6] =	dma.local [spmem:s11], $0x2780  }
0x4a: {  	_ =	swait.ge [sflag:s12], $0x2780  }
0x4b: {  	[sflag:s12] =	ssyncset.done $0x0  }
0x4c: {  	[sflag:s12] =	ssyncadd.s32 $0xFFFFD880  }
0x4d: {  	_ =	sfence.sel $0x180000  }
0x4e: {  	[bflag:$0x0] =	sbarrier.arrive $0xFFFF  }
0x4f: {  	p0 =	sne.s32 s1, $0x0;
	_ =	strace $0x90000056  }
0x50: {  	s0 =	sadd.s32 @!p0 $0x100000, s0;
	[bflag:$0x2] =	sbarrier.arrive $0xFFFF  }
0x51: {  	[sflag:s0] =	ssyncadd.tile.s32 @!p0 $0x1;
	_ =	shalt  }
.Lfunc_end2:
_tile_overlayer_lowered:
.L_overlay_start_2:
0x52: {  	(tag) =	ssettag $0x2  }
0x53: {  	s0 =	rddreg [dreg:$0x0];
	s2 =	stileid.u32  }
0x54: {  	s1 =	rddreg [dreg:$0x1];
	p0 =	sne.s32 s2, $0x0  }
0x55: {  	s3 =	rddreg [dreg:$0x2];
	[bflag:$0x3] =	sbarrier.arrive $0xFFFF;
	s2 =	simm.s32 @!p0 $0x1C02  }
0x56: {  	[timem:s3], [sflag:s2] =	dma.local @!p0 [hbm:s0], s1  }
0x57: {  	s0 =	simm.s32 @!p0 $0x2  }
0x58: {  	_ =	swait.ge @!p0 [sflag:s0], s1  }
0x59: {  	s1 =	ssub.s32 @!p0 $0x0, s1;
	[sflag:s0] =	ssyncset.done @!p0 $0x0  }
0x5a: {  	[sflag:s0] =	ssyncadd.s32 @!p0 s1  }
0x5b: {  	[bflag:$0x3] =	sbarrier.arrive $0xFFFF  }
0x5c: {  	_ =	shalt  }

</sc_bundles>
